<compile_context>
chip_gen: v7x
topology: tpu7x:2x2x1
jax: 0.10.2.dev20260603
libtpu: 0.0.44.dev20260713+nightly
codegen_flags: <defaults>
</compile_context>

<pallas_src>
import functools

import jax
import jax.numpy as jnp
from jax import lax
from jax.experimental import pallas as pl
from jax.experimental.pallas import tpu as pltpu
from jax.experimental.pallas import tpu_sc as plsc

B, P, C, O = 32, 16320, 21, 50
OP = 56
PP = 16384
NCH = 4
LBLK = PP // NCH
CP = 24
THRESHOLD = 0.5
NEGPOS_RATIO = 3
VAR0, VAR1 = 0.1, 0.2


def _match_ab(t8_ref, t8b_ref, pra_ref, prb_ref, loc_ref, conf_ref,
              lc_ref, stats_ref):
    tmat = t8_ref[0]
    tb = t8b_ref[0]
    tx1 = tb[:, 0:1]
    ty1 = tb[:, 1:2]
    tx2 = tb[:, 2:3]
    ty2 = tb[:, 3:4]
    valid = tb[:, 5:6] > 0.5
    area_a = (tx2 - tx1) * (ty2 - ty1)

    bto_c, bti_c = [], []
    bpo = jnp.full((OP, 1), -2.0, jnp.float32)
    bpi = jnp.zeros((OP, 1), jnp.int32)
    for c in range(NCH):
        pra = pra_ref[:, pl.ds(c * LBLK, LBLK)]
        px1 = pra[0:1, :]
        py1 = pra[1:2, :]
        px2 = pra[2:3, :]
        py2 = pra[3:4, :]
        areab = pra[4:5, :]
        iw = jnp.maximum(jnp.minimum(px2, tx2) - jnp.maximum(px1, tx1), 0.0)
        ih = jnp.maximum(jnp.minimum(py2, ty2) - jnp.maximum(py1, ty1), 0.0)
        inter = iw * ih
        ov = inter / (area_a + areab - inter)
        ov = jnp.where(valid, ov, -1.0)
        bto_c.append(jnp.max(ov, axis=0, keepdims=True))
        bti_c.append(jnp.argmax(ov, axis=0, keepdims=True).astype(jnp.int32))
        mx = jnp.max(ov, axis=1, keepdims=True)
        amx = jnp.argmax(ov, axis=1, keepdims=True).astype(jnp.int32) + c * LBLK
        upd = mx > bpo
        bpi = jnp.where(upd, amx, bpi)
        bpo = jnp.where(upd, mx, bpo)

    loss_l = jnp.zeros((), jnp.float32)
    pos_ce = jnp.zeros((), jnp.float32)
    npos = jnp.zeros((), jnp.float32)

    def huber(d):
        ad = jnp.abs(d)
        return jnp.where(ad < 1.0, 0.5 * d * d, ad - 0.5)

    for c in range(NCH):
        pidx = jax.lax.broadcasted_iota(jnp.int32, (OP, LBLK), 1) + c * LBLK
        oid = jax.lax.broadcasted_iota(jnp.int32, (OP, LBLK), 0)
        hit = (bpi == pidx) & valid
        last_j = jnp.max(jnp.where(hit, oid, -1), axis=0, keepdims=True)
        forced = last_j >= 0
        bto = jnp.where(forced, 2.0, bto_c[c])
        bti = jnp.where(forced, last_j, bti_c[c])
        oh = (oid == bti).astype(jnp.float32)
        g = jax.lax.dot_general(tmat, oh, (((1,), (0,)), ((), ())),
                                preferred_element_type=jnp.float32)
        gx1 = g[0:1, :]
        gy1 = g[1:2, :]
        gx2 = g[2:3, :]
        gy2 = g[3:4, :]
        glab = g[4:5, :]
        conf_t = jnp.where(bto < THRESHOLD, 0, glab.astype(jnp.int32))
        pos = conf_t > 0

        prb = prb_ref[:, pl.ds(c * LBLK, LBLK)]
        ecx = ((gx1 + gx2) * 0.5 - prb[0:1, :]) * prb[2:3, :]
        ecy = ((gy1 + gy2) * 0.5 - prb[1:2, :]) * prb[3:4, :]
        ew = jnp.log(jnp.maximum((gx2 - gx1) * prb[4:5, :], 1e-30)) * (1.0 / VAR1)
        eh = jnp.log(jnp.maximum((gy2 - gy1) * prb[5:6, :], 1.0e-30)) * (1.0 / VAR1)
        locr = loc_ref[0, :, pl.ds(c * LBLK, LBLK)]
        sl1 = (huber(locr[0:1, :] - ecx) + huber(locr[1:2, :] - ecy)
               + huber(locr[2:3, :] - ew) + huber(locr[3:4, :] - eh))
        loss_l = loss_l + jnp.sum(jnp.where(pos, sl1, 0.0))
        npos = npos + jnp.sum(pos.astype(jnp.float32))

        cf = conf_ref[0, :, pl.ds(c * LBLK, LBLK)]
        lse = jnp.log(jnp.sum(jnp.exp(cf), axis=0, keepdims=True))
        cid = jax.lax.broadcasted_iota(jnp.int32, (CP, LBLK), 0)
        gat = jnp.sum(jnp.where(cid == conf_t, cf, 0.0), axis=0, keepdims=True)
        ce = lse - gat
        pos_ce = pos_ce + jnp.sum(jnp.where(pos, ce, 0.0))
        padmask = pidx[0:1, :] >= P
        lc_ref[0, :, pl.ds(c * LBLK, LBLK)] = jnp.where(pos | padmask, 0.0, ce)

    stats_ref[0] = jnp.concatenate([
        loss_l.reshape(1, 1), pos_ce.reshape(1, 1), npos.reshape(1, 1),
        jnp.zeros((1, 5), jnp.float32)], axis=1)


NC, NS, L = 2, 16, 16
NV = PP // L


def _sc_topk(lc_hbm, kb_hbm, out_hbm, row_v, kb_v, out_v):
    wid = lax.axis_index("s") * NC + lax.axis_index("c")
    pltpu.sync_copy(lc_hbm.at[wid], row_v)
    pltpu.sync_copy(kb_hbm.at[wid], kb_v)
    kvec = kb_v[...]

    def count_gt(midv):
        tfv = plsc.bitcast(midv, jnp.float32)

        def body(i, acc):
            v = row_v[pl.ds(i, L)]
            return acc + plsc.all_reduce_population_count(v > tfv)

        return plsc.parallel_loop(
            0, PP, L, unroll=16, carry=jnp.zeros((L,), jnp.int32))(body)

    def bs_body(_, carry):
        lo, hi = carry
        mid = lo + jnp.right_shift(hi - lo, 1)
        take_hi = count_gt(mid) < kvec
        return (jnp.where(take_hi, lo, mid + 1),
                jnp.where(take_hi, mid, hi))

    zi = jnp.zeros((L,), jnp.int32)
    lo, _ = lax.fori_loop(0, 31, bs_body, (zi, zi + 0x7F800000))
    tfv = plsc.bitcast(lo, jnp.float32)

    zf = jnp.zeros((L,), jnp.float32)

    def fbody(i, carry):
        s, cn, tm = carry
        v = row_v[pl.ds(i, L)]
        gt = v > tfv
        return (s + jnp.where(gt, v, 0.0),
                cn + gt.astype(jnp.float32),
                jnp.maximum(tm, jnp.where(v == tfv, v, 0.0)))

    s, cn, tm = plsc.parallel_loop(
        0, PP, L, unroll=8, carry=(zf, zf, zf))(fbody)
    out_v[pl.ds(0, L)] = s
    out_v[pl.ds(L, L)] = cn
    out_v[pl.ds(2 * L, L)] = tm
    pltpu.sync_copy(out_v, out_hbm.at[wid])


def _combine_d(stats_ref, tk_ref, out_ref):
    tk = tk_ref[...]
    sum_gt = jnp.sum(tk[:, 0:L], axis=1, keepdims=True)
    cnt_gt = jnp.sum(tk[:, L:2 * L], axis=1, keepdims=True)
    tval = jnp.max(tk[:, 2 * L:3 * L], axis=1, keepdims=True)
    npos = stats_ref[:, 2:3]
    kf = jnp.minimum(jnp.float32(NEGPOS_RATIO) * npos, jnp.float32(P - 1))
    topk = sum_gt + (kf - cnt_gt) * tval
    n = jnp.sum(npos)
    loss_l = jnp.sum(stats_ref[:, 0:1])
    loss_c = jnp.sum(stats_ref[:, 1:2] + topk)
    out_ref[...] = jnp.concatenate([
        (loss_l / n).reshape(1), (loss_c / n).reshape(1),
        jnp.zeros((6,), jnp.float32)])


@jax.jit
def kernel(loc_data, conf_data, priors, targets):
    f32 = jnp.float32
    boxes = targets[:, :, :4]
    labels = targets[:, :, 4]
    t8 = jnp.zeros((B, 8, OP), f32)
    t8 = t8.at[:, 0:4, :O].set(jnp.transpose(boxes, (0, 2, 1)))
    t8 = t8.at[:, 4, :O].set(labels)
    t8 = t8.at[:, 5, :O].set(1.0)
    t8b = jnp.transpose(t8, (0, 2, 1))

    cx, cy, w, h = priors[:, 0], priors[:, 1], priors[:, 2], priors[:, 3]
    pra = jnp.zeros((8, PP), f32)
    pra = pra.at[0, :P].set(cx - w * 0.5)
    pra = pra.at[1, :P].set(cy - h * 0.5)
    pra = pra.at[2, :P].set(cx + w * 0.5)
    pra = pra.at[3, :P].set(cy + h * 0.5)
    pra = pra.at[4, :P].set(w * h)
    pra = pra.at[0:4, P:].set(-10.0)
    prb = jnp.ones((8, PP), f32)
    prb = prb.at[0, :P].set(cx)
    prb = prb.at[1, :P].set(cy)
    prb = prb.at[2, :P].set(1.0 / (VAR0 * w))
    prb = prb.at[3, :P].set(1.0 / (VAR0 * h))
    prb = prb.at[4, :P].set(1.0 / w)
    prb = prb.at[5, :P].set(1.0 / h)

    loc_t = jnp.zeros((B, 8, PP), f32)
    loc_t = loc_t.at[:, 0:4, :P].set(jnp.transpose(loc_data, (0, 2, 1)))
    conf_t_in = jnp.full((B, CP, PP), -1e30, f32)
    conf_t_in = conf_t_in.at[:, :C, :P].set(jnp.transpose(conf_data, (0, 2, 1)))

    lc, stats = pl.pallas_call(
        _match_ab,
        grid=(B,),
        in_specs=[
            pl.BlockSpec((1, 8, OP), lambda b: (b, 0, 0)),
            pl.BlockSpec((1, OP, 8), lambda b: (b, 0, 0)),
            pl.BlockSpec((8, PP), lambda b: (0, 0)),
            pl.BlockSpec((8, PP), lambda b: (0, 0)),
            pl.BlockSpec((1, 8, PP), lambda b: (b, 0, 0)),
            pl.BlockSpec((1, CP, PP), lambda b: (b, 0, 0)),
        ],
        out_specs=[
            pl.BlockSpec((1, 1, PP), lambda b: (b, 0, 0)),
            pl.BlockSpec((1, 1, 8), lambda b: (b, 0, 0)),
        ],
        out_shape=[
            jax.ShapeDtypeStruct((B, 1, PP), f32),
            jax.ShapeDtypeStruct((B, 1, 8), f32),
        ],
    )(t8, t8b, pra, prb, loc_t, conf_t_in)

    stats2 = stats.reshape(B, 8)
    kb = jnp.minimum(jnp.float32(NEGPOS_RATIO) * stats2[:, 2:3],
                     jnp.float32(P - 1)).astype(jnp.int32)
    kb = jnp.broadcast_to(kb, (B, L))

    sc_topk = functools.partial(
        pl.kernel,
        mesh=plsc.VectorSubcoreMesh(core_axis_name="c", subcore_axis_name="s"),
        compiler_params=pltpu.CompilerParams(needs_layout_passes=False),
        out_type=jax.ShapeDtypeStruct((B, 3 * L), f32),
        scratch_types=[
            pltpu.VMEM((PP,), f32),
            pltpu.VMEM((L,), jnp.int32),
            pltpu.VMEM((3 * L,), f32),
        ],
    )(_sc_topk)
    tk = sc_topk(lc.reshape(B, PP), kb)

    out = pl.pallas_call(
        _combine_d,
        in_specs=[
            pl.BlockSpec((B, 8), lambda: (0, 0)),
            pl.BlockSpec((B, 3 * L), lambda: (0, 0)),
        ],
        out_specs=pl.BlockSpec((8,), lambda: (0,)),
        out_shape=jax.ShapeDtypeStruct((8,), f32),
    )(stats2, tk)
    return out[0:2]

# --- scband reference (transcript-rebuilt; emitter-appended) ---
"""Pipeline reference for scband-refine-multi-box-loss-24352464568756 (READ-ONLY COPY).

The authoritative reference and input builder live on the scoring server;
editing this copy changes nothing except your own understanding.
"""

import jax, jax.numpy as jnp
import numpy as np

NUM_CLASSES = 21
THRESHOLD = 0.5
NEGPOS_RATIO = 3
VAR0, VAR1 = 0.1, 0.2


def setup_inputs(seed: int = 0) -> dict:
    key = jax.random.key(seed)
    kl, kc, kp1, kp2, kt1, kt2, ky = jax.random.split(key, 7)
    B, P, C, O = 32, 16320, 21, 50
    loc_data = jax.random.normal(kl, (B, P, 4), dtype=jnp.float32) * 0.1
    conf_data = jax.random.normal(kc, (B, P, C), dtype=jnp.float32)
    # priors in center-size (cx, cy, w, h) form, valid in [0,1]
    p_cxcy = jax.random.uniform(kp1, (P, 2), minval=0.05, maxval=0.95)
    p_wh = jax.random.uniform(kp2, (P, 2), minval=0.05, maxval=0.5)
    priors = jnp.concatenate([p_cxcy, p_wh], axis=1).astype(jnp.float32)
    # ground-truth targets: valid xyxy boxes + class label in [1, C-1]
    g_cxcy = jax.random.uniform(kt1, (B, O, 2), minval=0.2, maxval=0.8)
    g_wh = jax.random.uniform(kt2, (B, O, 2), minval=0.05, maxval=0.3)
    gt_boxes = jnp.concatenate([g_cxcy - g_wh / 2, g_cxcy + g_wh / 2], axis=-1)
    labels = jax.random.randint(ky, (B, O), 1, C).astype(jnp.float32)
    targets = jnp.concatenate([gt_boxes, labels[..., None]], axis=-1).astype(jnp.float32)
    return {"loc_data": loc_data, "conf_data": conf_data, "priors": priors, "targets": targets}


def _match_np(truths, priors, labels):
    # truths: [O,4] xyxy, priors: [P,4] center-size, labels: [O]
    priors_pt = jnp.concatenate([priors[:, :2] - priors[:, 2:] / 2,
                                 priors[:, :2] + priors[:, 2:] / 2], 1)
    max_xy = jnp.minimum(truths[:, None, 2:], priors_pt[None, :, 2:])
    min_xy = jnp.maximum(truths[:, None, :2], priors_pt[None, :, :2])
    inter = jnp.clip(max_xy - min_xy, 0, None)
    inter = inter[..., 0] * inter[..., 1]
    area_a = ((truths[:, 2] - truths[:, 0]) * (truths[:, 3] - truths[:, 1]))[:, None]
    area_b = ((priors_pt[:, 2] - priors_pt[:, 0]) * (priors_pt[:, 3] - priors_pt[:, 1]))[None, :]
    overlaps = inter / (area_a + area_b - inter)
    best_prior_idx = overlaps.argmax(1)
    best_truth_overlap = overlaps.max(0)
    best_truth_idx = overlaps.argmax(0)
    O = truths.shape[0]
    P = priors.shape[0]
    hit = best_prior_idx[:, None] == jnp.arange(P)[None, :]
    last_j = jnp.max(jnp.where(hit, jnp.arange(O)[:, None], -1), axis=0)
    forced = last_j >= 0
    best_truth_overlap = jnp.where(forced, jnp.float32(2.0), best_truth_overlap)
    best_truth_idx = jnp.where(forced, last_j, best_truth_idx)
    matches = truths[best_truth_idx]
    conf = labels[best_truth_idx].astype(jnp.int32)
    conf = jnp.where(best_truth_overlap < THRESHOLD, 0, conf)
    g_cxcy = (matches[:, :2] + matches[:, 2:]) / 2 - priors[:, :2]
    g_cxcy = g_cxcy / (VAR0 * priors[:, 2:])
    g_wh = (matches[:, 2:] - matches[:, :2]) / priors[:, 2:]
    g_wh = jnp.log(g_wh) / VAR1
    loc = jnp.concatenate([g_cxcy, g_wh], 1)
    return loc.astype(jnp.float32), conf


def _build_targets(priors, targets):
    def _one(t):
        truths = t[:, :-1]
        labels = t[:, -1]
        return _match_np(truths, priors, labels)
    locs, confs = jax.vmap(_one)(targets)
    return locs, confs


def reference(loc_data, conf_data, priors, targets):
    loc_t, conf_t = _build_targets(priors, targets)  # matching is done on .data in torch (no grad)
    num, num_priors, C = conf_data.shape
    pos = conf_t > 0
    # localization loss: smooth L1 over positive priors, sum reduction
    diff = loc_data - loc_t
    ad = jnp.abs(diff)
    sl1 = jnp.where(ad < 1.0, 0.5 * diff * diff, ad - 0.5)
    loss_l = jnp.sum(sl1 * pos[..., None].astype(sl1.dtype))
    # hard negative mining
    batch_conf = conf_data.reshape(-1, C)
    lse = jax.scipy.special.logsumexp(batch_conf, axis=1)
    gathered = jnp.take_along_axis(batch_conf, conf_t.reshape(-1, 1), axis=1)[:, 0]
    loss_c = lse - gathered
    loss_c = jnp.where(pos.reshape(-1), 0.0, loss_c).reshape(num, -1)
    loss_idx = jnp.argsort(-loss_c, axis=1)
    idx_rank = jnp.argsort(loss_idx, axis=1)
    num_pos = pos.sum(axis=1, keepdims=True)
    num_neg = jnp.minimum(NEGPOS_RATIO * num_pos, num_priors - 1)
    neg = idx_rank < num_neg
    # confidence loss: cross entropy over pos + hard neg, sum reduction
    lse2 = jax.scipy.special.logsumexp(conf_data, axis=2)
    g2 = jnp.take_along_axis(conf_data, conf_t[..., None], axis=2)[..., 0]
    ce = lse2 - g2
    mask = (pos | neg).astype(ce.dtype)
    loss_c_final = jnp.sum(ce * mask)
    N = num_pos.sum().astype(jnp.float32)
    return jnp.stack([loss_l / N, loss_c_final / N])

if __name__ == "__main__":
    import jax
    _d = setup_inputs()
    print(jax.jit(kernel)(*tuple(_d.values())))

</pallas_src>

<mosaic_0001>
#map = affine_map<(d0, d1) -> (0, 0)>
module attributes {stable_mosaic.version = 14 : i64} {
  func.func @_sc_topk(%arg0: i32, %arg1: i32, %arg2: memref<32x16384xf32, #tpu.memory_space<hbm>>, %arg3: memref<32x16xi32, #tpu.memory_space<hbm>>, %arg4: memref<32x48xf32, #tpu.memory_space<hbm>>, %arg5: memref<16384xf32, #tpu.memory_space<vmem>>, %arg6: memref<16xi32, #tpu.memory_space<vmem>>, %arg7: memref<48xf32, #tpu.memory_space<vmem>>) attributes {dimension_semantics = [#tpu.dimension_semantics<core_parallel>, #tpu.dimension_semantics<subcore_parallel>], iteration_bounds = array<i64: 2, 16>, scalar_prefetch = 0 : i64, scratch_operands = 3 : i64, tpu.core_type = #tpu.core_type<sc_vector_subcore>, window_params = [{transform_indices = #map}, {transform_indices = #map}, {transform_indices = #map}]} {
    %mul3A = arith.constant 2 : i32
    %mul3A_0 = arith.muli %arg1, %mul3A : i32
    %add3A = arith.addi %mul3A_0, %arg0 : i32
    "tpu.region"() ({
      %run_scoped3A = tpu.sem_alloc : memref<!tpu.dma_semaphore, #tpu.memory_space<semaphore_mem>>
      %dma_start3A = arith.constant 0 : i32
      %dma_start3A_21 = tpu.memref_slice %arg2[%add3A, %dma_start3A] : memref<32x16384xf32, #tpu.memory_space<hbm>> -> memref<1x16384xf32, #tpu.memory_space<hbm>>
      %dma_start3A_22 = tpu.memref_squeeze %dma_start3A_21 : memref<1x16384xf32, #tpu.memory_space<hbm>> -> memref<16384xf32, #tpu.memory_space<hbm>>
      %dma_start3A_23 = arith.constant 0 : i32
      %dma_start3A_24 = tpu.memref_slice %arg2[%add3A, %dma_start3A_23] : memref<32x16384xf32, #tpu.memory_space<hbm>> -> memref<1x16384xf32, #tpu.memory_space<hbm>>
      %dma_start3A_25 = tpu.memref_squeeze %dma_start3A_24 : memref<1x16384xf32, #tpu.memory_space<hbm>> -> memref<16384xf32, #tpu.memory_space<hbm>>
      tpu.enqueue_dma source(%dma_start3A_25 : memref<16384xf32, #tpu.memory_space<hbm>>) target(%arg5 : memref<16384xf32, #tpu.memory_space<vmem>>) target_semaphore(%run_scoped3A : memref<!tpu.dma_semaphore, #tpu.memory_space<semaphore_mem>>)
      %dma_wait3A = arith.constant 0 : i32
      %dma_wait3A_26 = tpu.memref_slice %arg2[%add3A, %dma_wait3A] : memref<32x16384xf32, #tpu.memory_space<hbm>> -> memref<1x16384xf32, #tpu.memory_space<hbm>>
      %dma_wait3A_27 = tpu.memref_squeeze %dma_wait3A_26 : memref<1x16384xf32, #tpu.memory_space<hbm>> -> memref<16384xf32, #tpu.memory_space<hbm>>
      %dma_wait3A_28 = arith.constant 0 : i32
      %dma_wait3A_29 = tpu.memref_slice %arg2[%add3A, %dma_wait3A_28] : memref<32x16384xf32, #tpu.memory_space<hbm>> -> memref<1x16384xf32, #tpu.memory_space<hbm>>
      %dma_wait3A_30 = tpu.memref_squeeze %dma_wait3A_29 : memref<1x16384xf32, #tpu.memory_space<hbm>> -> memref<16384xf32, #tpu.memory_space<hbm>>
      tpu.wait_dma2 semaphore(%run_scoped3A : memref<!tpu.dma_semaphore, #tpu.memory_space<semaphore_mem>>) src(%dma_wait3A_30 : memref<16384xf32, #tpu.memory_space<hbm>>) dst(%arg5 : memref<16384xf32, #tpu.memory_space<vmem>>)
      tpu.yield
    }) : () -> ()
    "tpu.region"() ({
      %run_scoped3A = tpu.sem_alloc : memref<!tpu.dma_semaphore, #tpu.memory_space<semaphore_mem>>
      %dma_start3A = arith.constant 0 : i32
      %dma_start3A_21 = tpu.memref_slice %arg3[%add3A, %dma_start3A] : memref<32x16xi32, #tpu.memory_space<hbm>> -> memref<1x16xi32, #tpu.memory_space<hbm>>
      %dma_start3A_22 = tpu.memref_squeeze %dma_start3A_21 : memref<1x16xi32, #tpu.memory_space<hbm>> -> memref<16xi32, #tpu.memory_space<hbm>>
      %dma_start3A_23 = arith.constant 0 : i32
      %dma_start3A_24 = tpu.memref_slice %arg3[%add3A, %dma_start3A_23] : memref<32x16xi32, #tpu.memory_space<hbm>> -> memref<1x16xi32, #tpu.memory_space<hbm>>
      %dma_start3A_25 = tpu.memref_squeeze %dma_start3A_24 : memref<1x16xi32, #tpu.memory_space<hbm>> -> memref<16xi32, #tpu.memory_space<hbm>>
      tpu.enqueue_dma source(%dma_start3A_25 : memref<16xi32, #tpu.memory_space<hbm>>) target(%arg6 : memref<16xi32, #tpu.memory_space<vmem>>) target_semaphore(%run_scoped3A : memref<!tpu.dma_semaphore, #tpu.memory_space<semaphore_mem>>)
      %dma_wait3A = arith.constant 0 : i32
      %dma_wait3A_26 = tpu.memref_slice %arg3[%add3A, %dma_wait3A] : memref<32x16xi32, #tpu.memory_space<hbm>> -> memref<1x16xi32, #tpu.memory_space<hbm>>
      %dma_wait3A_27 = tpu.memref_squeeze %dma_wait3A_26 : memref<1x16xi32, #tpu.memory_space<hbm>> -> memref<16xi32, #tpu.memory_space<hbm>>
      %dma_wait3A_28 = arith.constant 0 : i32
      %dma_wait3A_29 = tpu.memref_slice %arg3[%add3A, %dma_wait3A_28] : memref<32x16xi32, #tpu.memory_space<hbm>> -> memref<1x16xi32, #tpu.memory_space<hbm>>
      %dma_wait3A_30 = tpu.memref_squeeze %dma_wait3A_29 : memref<1x16xi32, #tpu.memory_space<hbm>> -> memref<16xi32, #tpu.memory_space<hbm>>
      tpu.wait_dma2 semaphore(%run_scoped3A : memref<!tpu.dma_semaphore, #tpu.memory_space<semaphore_mem>>) src(%dma_wait3A_30 : memref<16xi32, #tpu.memory_space<hbm>>) dst(%arg6 : memref<16xi32, #tpu.memory_space<vmem>>)
      tpu.yield
    }) : () -> ()
    %get3A = arith.constant 0 : index
    %get3A_1 = tpu.vector_load %arg6[%get3A] {strides = array<i32>} : memref<16xi32, #tpu.memory_space<vmem>>, vector<16xi32>,
    %broadcast_in_dim3A = arith.constant 0 : i32
    %broadcast_in_dim3A_2 = vector.broadcast %broadcast_in_dim3A : i32 to vector<16xi32>
    %add3A_3 = arith.constant 2139095040 : i32
    %add3A_4 = vector.broadcast %add3A_3 : i32 to vector<16xi32>
    %add3A_5 = arith.addi %broadcast_in_dim3A_2, %add3A_4 : vector<16xi32>
    %scan3A = arith.constant 0 : i32
    %scan3A_6 = arith.constant 31 : i32
    %scan3A_7 = arith.addi %scan3A, %scan3A_6 : i32
    %scan3A_8 = arith.constant 1 : i32
    %scan3A_9:2 = scf.for %scan3A_21 = %scan3A to %scan3A_7 step %scan3A_8 iter_args(%scan3A_22 = %broadcast_in_dim3A_2, %scan3A_23 = %add3A_5) -> (vector<16xi32>, vector<16xi32>)  : i32 {
      %sub3A = arith.subi %scan3A_23, %scan3A_22 : vector<16xi32>
      %shift_right_arithmetic3A = arith.constant 1 : i32
      %shift_right_arithmetic3A_24 = vector.broadcast %shift_right_arithmetic3A : i32 to vector<16xi32>
      %shift_right_arithmetic3A_25 = arith.shrsi %sub3A, %shift_right_arithmetic3A_24 : vector<16xi32>
      %add3A_26 = arith.addi %scan3A_22, %shift_right_arithmetic3A_25 : vector<16xi32>
      %bitcast3A_27 = vector.bitcast %add3A_26 : vector<16xi32> to vector<16xf32>
      %broadcast_in_dim3A_28 = arith.constant 0 : i32
      %broadcast_in_dim3A_29 = vector.broadcast %broadcast_in_dim3A_28 : i32 to vector<16xi32>
      %parallel_loop3A_30 = arith.constant 0 : i32
      %parallel_loop3A_31 = arith.constant 16384 : i32
      %parallel_loop3A_32 = arith.constant 16 : i32
      %parallel_loop3A_33 = scf.for %parallel_loop3A_38 = %parallel_loop3A_30 to %parallel_loop3A_31 step %parallel_loop3A_32 iter_args(%parallel_loop3A_39 = %broadcast_in_dim3A_29) -> (vector<16xi32>)  : i32 {
        %parallel_loop3A_40 = arith.index_cast %parallel_loop3A_38 : i32 to index
        %parallel_loop3A_41 = tpu.vector_load %arg5[%parallel_loop3A_40] {strides = array<i32>} : memref<16384xf32, #tpu.memory_space<vmem>>, vector<16xf32>,
        %parallel_loop3A_42 = arith.cmpf ogt, %parallel_loop3A_41, %bitcast3A_27 : vector<16xf32>
        %parallel_loop3A_43 = tpu.all_reduce %parallel_loop3A_42 {dim = 0 : i64, kind = #tpu.reduction_kind<sum>} : vector<16xi1> -> vector<16xi32>
        %parallel_loop3A_44 = arith.addi %parallel_loop3A_39, %parallel_loop3A_43 : vector<16xi32>
        scf.yield %parallel_loop3A_44 : vector<16xi32>
      } {sc.loop_unroll_factor = 16 : i64, sc.parallel_access}
      %lt3A = arith.cmpi slt, %parallel_loop3A_33, %get3A_1 : vector<16xi32>
      %add3A_34 = arith.constant 1 : i32
      %add3A_35 = vector.broadcast %add3A_34 : i32 to vector<16xi32>
      %add3A_36 = arith.addi %add3A_26, %add3A_35 : vector<16xi32>
      %select_n3A = arith.select %lt3A, %scan3A_22, %add3A_36 : vector<16xi1>, vector<16xi32>
      %select_n3A_37 = arith.select %lt3A, %add3A_26, %scan3A_23 : vector<16xi1>, vector<16xi32>
      scf.yield %select_n3A, %select_n3A_37 : vector<16xi32>, vector<16xi32>
    }
    %scan3A_10 = arith.constant 31 : i32
    %bitcast3A = vector.bitcast %scan3A_9#0 : vector<16xi32> to vector<16xf32>
    %broadcast_in_dim3A_11 = arith.constant 0.000000e+00 : f32
    %broadcast_in_dim3A_12 = vector.broadcast %broadcast_in_dim3A_11 : f32 to vector<16xf32>
    %parallel_loop3A = arith.constant 0 : i32
    %parallel_loop3A_13 = arith.constant 16384 : i32
    %parallel_loop3A_14 = arith.constant 16 : i32
    %parallel_loop3A_15:3 = scf.for %parallel_loop3A_21 = %parallel_loop3A to %parallel_loop3A_13 step %parallel_loop3A_14 iter_args(%parallel_loop3A_22 = %broadcast_in_dim3A_12, %parallel_loop3A_23 = %broadcast_in_dim3A_12, %parallel_loop3A_24 = %broadcast_in_dim3A_12) -> (vector<16xf32>, vector<16xf32>, vector<16xf32>)  : i32 {
      %parallel_loop3A_25 = arith.index_cast %parallel_loop3A_21 : i32 to index
      %parallel_loop3A_26 = tpu.vector_load %arg5[%parallel_loop3A_25] {strides = array<i32>} : memref<16384xf32, #tpu.memory_space<vmem>>, vector<16xf32>,
      %parallel_loop3A_27 = arith.cmpf ogt, %parallel_loop3A_26, %bitcast3A : vector<16xf32>
      %parallel_loop3A_28 = arith.constant 0.000000e+00 : f32
      %parallel_loop3A_29 = vector.broadcast %parallel_loop3A_28 : f32 to vector<16xf32>
      %parallel_loop3A_30 = arith.select %parallel_loop3A_27, %parallel_loop3A_26, %parallel_loop3A_29 : vector<16xi1>, vector<16xf32>
      %parallel_loop3A_31 = arith.addf %parallel_loop3A_22, %parallel_loop3A_30 : vector<16xf32>
      %parallel_loop3A_32 = arith.extui %parallel_loop3A_27 : vector<16xi1> to vector<16xi32>
      %parallel_loop3A_33 = arith.sitofp %parallel_loop3A_32 : vector<16xi32> to vector<16xf32>
      %parallel_loop3A_34 = arith.addf %parallel_loop3A_23, %parallel_loop3A_33 : vector<16xf32>
      %parallel_loop3A_35 = arith.cmpf oeq, %parallel_loop3A_26, %bitcast3A : vector<16xf32>
      %parallel_loop3A_36 = arith.constant 0.000000e+00 : f32
      %parallel_loop3A_37 = vector.broadcast %parallel_loop3A_36 : f32 to vector<16xf32>
      %parallel_loop3A_38 = arith.select %parallel_loop3A_35, %parallel_loop3A_26, %parallel_loop3A_37 : vector<16xi1>, vector<16xf32>
      %parallel_loop3A_39 = arith.maximumf %parallel_loop3A_24, %parallel_loop3A_38 : vector<16xf32>
      scf.yield %parallel_loop3A_31, %parallel_loop3A_34, %parallel_loop3A_39 : vector<16xf32>, vector<16xf32>, vector<16xf32>
    } {sc.loop_unroll_factor = 8 : i64, sc.parallel_access}
    %swap3A = arith.constant 0 : index
    %swap3A_16 = tpu.vector_load %arg7[%swap3A] {strides = array<i32>} : memref<48xf32, #tpu.memory_space<vmem>>, vector<16xf32>,
    tpu.vector_store %arg7[%swap3A], %parallel_loop3A_15#0 {strides = array<i32>} : memref<48xf32, #tpu.memory_space<vmem>>, vector<16xf32>,
    %swap3A_17 = arith.constant 16 : index
    %swap3A_18 = tpu.vector_load %arg7[%swap3A_17] {strides = array<i32>} : memref<48xf32, #tpu.memory_space<vmem>>, vector<16xf32>,
    tpu.vector_store %arg7[%swap3A_17], %parallel_loop3A_15#1 {strides = array<i32>} : memref<48xf32, #tpu.memory_space<vmem>>, vector<16xf32>,
    %swap3A_19 = arith.constant 32 : index
    %swap3A_20 = tpu.vector_load %arg7[%swap3A_19] {strides = array<i32>} : memref<48xf32, #tpu.memory_space<vmem>>, vector<16xf32>,
    tpu.vector_store %arg7[%swap3A_19], %parallel_loop3A_15#2 {strides = array<i32>} : memref<48xf32, #tpu.memory_space<vmem>>, vector<16xf32>,
    "tpu.region"() ({
      %run_scoped3A = tpu.sem_alloc : memref<!tpu.dma_semaphore, #tpu.memory_space<semaphore_mem>>
      %dma_start3A = arith.constant 0 : i32
      %dma_start3A_21 = tpu.memref_slice %arg4[%add3A, %dma_start3A] : memref<32x48xf32, #tpu.memory_space<hbm>> -> memref<1x48xf32, #tpu.memory_space<hbm>>
      %dma_start3A_22 = tpu.memref_squeeze %dma_start3A_21 : memref<1x48xf32, #tpu.memory_space<hbm>> -> memref<48xf32, #tpu.memory_space<hbm>>
      %dma_start3A_23 = arith.constant 0 : i32
      %dma_start3A_24 = tpu.memref_slice %arg4[%add3A, %dma_start3A_23] : memref<32x48xf32, #tpu.memory_space<hbm>> -> memref<1x48xf32, #tpu.memory_space<hbm>>
      %dma_start3A_25 = tpu.memref_squeeze %dma_start3A_24 : memref<1x48xf32, #tpu.memory_space<hbm>> -> memref<48xf32, #tpu.memory_space<hbm>>
      tpu.enqueue_dma source(%arg7 : memref<48xf32, #tpu.memory_space<vmem>>) target(%dma_start3A_25 : memref<48xf32, #tpu.memory_space<hbm>>) target_semaphore(%run_scoped3A : memref<!tpu.dma_semaphore, #tpu.memory_space<semaphore_mem>>)
      %dma_wait3A = arith.constant 0 : i32
      %dma_wait3A_26 = tpu.memref_slice %arg4[%add3A, %dma_wait3A] : memref<32x48xf32, #tpu.memory_space<hbm>> -> memref<1x48xf32, #tpu.memory_space<hbm>>
      %dma_wait3A_27 = tpu.memref_squeeze %dma_wait3A_26 : memref<1x48xf32, #tpu.memory_space<hbm>> -> memref<48xf32, #tpu.memory_space<hbm>>
      %dma_wait3A_28 = arith.constant 0 : i32
      %dma_wait3A_29 = tpu.memref_slice %arg4[%add3A, %dma_wait3A_28] : memref<32x48xf32, #tpu.memory_space<hbm>> -> memref<1x48xf32, #tpu.memory_space<hbm>>
      %dma_wait3A_30 = tpu.memref_squeeze %dma_wait3A_29 : memref<1x48xf32, #tpu.memory_space<hbm>> -> memref<48xf32, #tpu.memory_space<hbm>>
      tpu.wait_dma2 semaphore(%run_scoped3A : memref<!tpu.dma_semaphore, #tpu.memory_space<semaphore_mem>>) src(%arg7 : memref<48xf32, #tpu.memory_space<vmem>>) dst(%dma_wait3A_30 : memref<48xf32, #tpu.memory_space<hbm>>)
      tpu.yield
    }) : () -> ()
    return
  }
}

module attributes {stable_mosaic.version = 14 : i64} {
  func.func @_match_ab(%arg0: i32, %arg1: memref<1x8x56xf32, #tpu.memory_space<vmem>>, %arg2: memref<1x56x8xf32, #tpu.memory_space<vmem>>, %arg3: memref<8x16384xf32, #tpu.memory_space<vmem>>, %arg4: memref<8x16384xf32, #tpu.memory_space<vmem>>, %arg5: memref<1x8x16384xf32, #tpu.memory_space<vmem>>, %arg6: memref<1x24x16384xf32, #tpu.memory_space<vmem>>, %arg7: memref<1x1x16384xf32, #tpu.memory_space<vmem>>, %arg8: memref<1x1x8xf32, #tpu.memory_space<vmem>>) attributes {dimension_semantics = [#tpu.dimension_semantics<arbitrary>], iteration_bounds = array<i64: 32>, scalar_prefetch = 0 : i64, scratch_operands = 0 : i64, tpu.core_type = #tpu.core_type<tc>, window_params = [{transform_indices = @transform_0, window_bounds = array<i64: 1, 8, 56>}, {transform_indices = @transform_1, window_bounds = array<i64: 1, 56, 8>}, {pipeline_mode = #tpu.pipeline_mode<synchronous>, transform_indices = @transform_2, window_bounds = array<i64: 8, 16384>}, {pipeline_mode = #tpu.pipeline_mode<synchronous>, transform_indices = @transform_3, window_bounds = array<i64: 8, 16384>}, {transform_indices = @transform_4, window_bounds = array<i64: 1, 8, 16384>}, {transform_indices = @transform_5, window_bounds = array<i64: 1, 24, 16384>}, {transform_indices = @transform_6, window_bounds = array<i64: 1, 1, 16384>}, {transform_indices = @transform_7, window_bounds = array<i64: 1, 1, 8>}]} {
    %get3A = arith.constant 0 : index
    %get3A_0 = arith.constant 0 : index
    %get3A_1 = arith.constant 0 : index
    %get3A_2 = vector.load %arg1[%get3A, %get3A_0, %get3A_1] : memref<1x8x56xf32, #tpu.memory_space<vmem>>, vector<1x8x56xf32>
    %get3A_3 = vector.shape_cast %get3A_2 : vector<1x8x56xf32> to vector<8x56xf32>
    %get3A_4 = arith.constant 0 : index
    %get3A_5 = arith.constant 0 : index
    %get3A_6 = arith.constant 0 : index
    %get3A_7 = vector.load %arg2[%get3A_4, %get3A_5, %get3A_6] : memref<1x56x8xf32, #tpu.memory_space<vmem>>, vector<1x56x8xf32>
    %get3A_8 = vector.shape_cast %get3A_7 : vector<1x56x8xf32> to vector<56x8xf32>
    %slice3A = vector.extract_strided_slice %get3A_8 {offsets = [0, 0], sizes = [56, 1], strides = [1, 1]} : vector<56x8xf32> to vector<56x1xf32>
    %slice3A_9 = vector.extract_strided_slice %get3A_8 {offsets = [0, 1], sizes = [56, 1], strides = [1, 1]} : vector<56x8xf32> to vector<56x1xf32>
    %slice3A_10 = vector.extract_strided_slice %get3A_8 {offsets = [0, 2], sizes = [56, 1], strides = [1, 1]} : vector<56x8xf32> to vector<56x1xf32>
    %slice3A_11 = vector.extract_strided_slice %get3A_8 {offsets = [0, 3], sizes = [56, 1], strides = [1, 1]} : vector<56x8xf32> to vector<56x1xf32>
    %slice3A_12 = vector.extract_strided_slice %get3A_8 {offsets = [0, 5], sizes = [56, 1], strides = [1, 1]} : vector<56x8xf32> to vector<56x1xf32>
    %gt3A = arith.constant 5.000000e-01 : f32
    %gt3A_13 = vector.broadcast %gt3A : f32 to vector<56x1xf32>
    %gt3A_14 = arith.cmpf ogt, %slice3A_12, %gt3A_13 : vector<56x1xf32>
    %sub3A = arith.subf %slice3A_10, %slice3A : vector<56x1xf32>
    %sub3A_15 = arith.subf %slice3A_11, %slice3A_9 : vector<56x1xf32>
    %mul3A = arith.mulf %sub3A, %sub3A_15 : vector<56x1xf32>
    %broadcast_in_dim3A = arith.constant -2.000000e+00 : f32
    %broadcast_in_dim3A_16 = vector.broadcast %broadcast_in_dim3A : f32 to vector<56x1xf32>
    %broadcast_in_dim3A_17 = arith.constant 0 : i32
    %broadcast_in_dim3A_18 = vector.broadcast %broadcast_in_dim3A_17 : i32 to vector<56x1xi32>
    %get3A_19 = arith.constant 0 : index
    %get3A_20 = arith.constant 0 : index
    %get3A_21 = vector.load %arg3[%get3A_19, %get3A_20] : memref<8x16384xf32, #tpu.memory_space<vmem>>, vector<8x4096xf32>
    %slice3A_22 = vector.extract_strided_slice %get3A_21 {offsets = [0, 0], sizes = [1, 4096], strides = [1, 1]} : vector<8x4096xf32> to vector<1x4096xf32>
    %slice3A_23 = vector.extract_strided_slice %get3A_21 {offsets = [1, 0], sizes = [1, 4096], strides = [1, 1]} : vector<8x4096xf32> to vector<1x4096xf32>
    %slice3A_24 = vector.extract_strided_slice %get3A_21 {offsets = [2, 0], sizes = [1, 4096], strides = [1, 1]} : vector<8x4096xf32> to vector<1x4096xf32>
    %slice3A_25 = vector.extract_strided_slice %get3A_21 {offsets = [3, 0], sizes = [1, 4096], strides = [1, 1]} : vector<8x4096xf32> to vector<1x4096xf32>
    %slice3A_26 = vector.extract_strided_slice %get3A_21 {offsets = [4, 0], sizes = [1, 4096], strides = [1, 1]} : vector<8x4096xf32> to vector<1x4096xf32>
    %min3A = vector.broadcast %slice3A_24 : vector<1x4096xf32> to vector<56x4096xf32>
    %min3A_27 = vector.broadcast %slice3A_10 : vector<56x1xf32> to vector<56x4096xf32>
    %min3A_28 = arith.minimumf %min3A, %min3A_27 : vector<56x4096xf32>
    %max3A = vector.broadcast %slice3A_22 : vector<1x4096xf32> to vector<56x4096xf32>
    %max3A_29 = vector.broadcast %slice3A : vector<56x1xf32> to vector<56x4096xf32>
    %max3A_30 = arith.maximumf %max3A, %max3A_29 : vector<56x4096xf32>
    %sub3A_31 = arith.subf %min3A_28, %max3A_30 : vector<56x4096xf32>
    %max3A_32 = arith.constant 0.000000e+00 : f32
    %max3A_33 = vector.broadcast %max3A_32 : f32 to vector<56x4096xf32>
    %max3A_34 = arith.maximumf %sub3A_31, %max3A_33 : vector<56x4096xf32>
    %min3A_35 = vector.broadcast %slice3A_25 : vector<1x4096xf32> to vector<56x4096xf32>
    %min3A_36 = vector.broadcast %slice3A_11 : vector<56x1xf32> to vector<56x4096xf32>
    %min3A_37 = arith.minimumf %min3A_35, %min3A_36 : vector<56x4096xf32>
    %max3A_38 = vector.broadcast %slice3A_23 : vector<1x4096xf32> to vector<56x4096xf32>
    %max3A_39 = vector.broadcast %slice3A_9 : vector<56x1xf32> to vector<56x4096xf32>
    %max3A_40 = arith.maximumf %max3A_38, %max3A_39 : vector<56x4096xf32>
    %sub3A_41 = arith.subf %min3A_37, %max3A_40 : vector<56x4096xf32>
    %max3A_42 = arith.constant 0.000000e+00 : f32
    %max3A_43 = vector.broadcast %max3A_42 : f32 to vector<56x4096xf32>
    %max3A_44 = arith.maximumf %sub3A_41, %max3A_43 : vector<56x4096xf32>
    %mul3A_45 = arith.mulf %max3A_34, %max3A_44 : vector<56x4096xf32>
    %add3A = vector.broadcast %mul3A : vector<56x1xf32> to vector<56x4096xf32>
    %add3A_46 = vector.broadcast %slice3A_26 : vector<1x4096xf32> to vector<56x4096xf32>
    %add3A_47 = arith.addf %add3A, %add3A_46 : vector<56x4096xf32>
    %sub3A_48 = arith.subf %add3A_47, %mul3A_45 : vector<56x4096xf32>
    %div3A = arith.divf %mul3A_45, %sub3A_48 : vector<56x4096xf32>
    %jit3A = arith.constant -1.000000e+00 : f32
    %broadcast_in_dim3A_49 = vector.shape_cast %gt3A_14 : vector<56x1xi1> to vector<56x1xi1>
    %broadcast_in_dim3A_50 = vector.broadcast %broadcast_in_dim3A_49 : vector<56x1xi1> to vector<56x4096xi1>
    %broadcast_in_dim3A_51 = vector.broadcast %jit3A : f32 to vector<56x4096xf32>
    %select_n3A = arith.select %broadcast_in_dim3A_50, %div3A, %broadcast_in_dim3A_51 : vector<56x4096xi1>, vector<56x4096xf32>
    %reduce_max3A = arith.constant dense<0xFF800000> : vector<4096xf32>
    %reduce_max3A_52 = vector.multi_reduction <maximumf>, %select_n3A, %reduce_max3A [0] : vector<56x4096xf32> to vector<4096xf32>
    %broadcast_in_dim3A_53 = vector.shape_cast %reduce_max3A_52 : vector<4096xf32> to vector<1x4096xf32>
    %argmax3A = tpu.reduce_index %select_n3A {axis = 0 : i32, kind = #tpu.reduction_kind<arg_max>} : vector<56x4096xf32> -> vector<4096xi32>
    %broadcast_in_dim3A_54 = vector.shape_cast %argmax3A : vector<4096xi32> to vector<1x4096xi32>
    %reduce_max3A_55 = arith.constant dense<0xFF800000> : vector<56xf32>
    %reduce_max3A_56 = vector.multi_reduction <maximumf>, %select_n3A, %reduce_max3A_55 [1] : vector<56x4096xf32> to vector<56xf32>
    %broadcast_in_dim3A_57 = vector.shape_cast %reduce_max3A_56 : vector<56xf32> to vector<56x1xf32>
    %argmax3A_58 = tpu.reduce_index %select_n3A {axis = 1 : i32, kind = #tpu.reduction_kind<arg_max>} : vector<56x4096xf32> -> vector<56xi32>
    %broadcast_in_dim3A_59 = vector.shape_cast %argmax3A_58 : vector<56xi32> to vector<56x1xi32>
    %add3A_60 = arith.constant 0 : i32
    %add3A_61 = vector.broadcast %add3A_60 : i32 to vector<56x1xi32>
    %add3A_62 = arith.addi %broadcast_in_dim3A_59, %add3A_61 : vector<56x1xi32>
    %gt3A_63 = arith.cmpf ogt, %broadcast_in_dim3A_57, %broadcast_in_dim3A_16 : vector<56x1xf32>
    %select_n3A_64 = arith.select %gt3A_63, %add3A_62, %broadcast_in_dim3A_18 : vector<56x1xi1>, vector<56x1xi32>
    %select_n3A_65 = arith.select %gt3A_63, %broadcast_in_dim3A_57, %broadcast_in_dim3A_16 : vector<56x1xi1>, vector<56x1xf32>
    %get3A_66 = arith.constant 0 : index
    %get3A_67 = arith.constant 4096 : index
    %get3A_68 = vector.load %arg3[%get3A_66, %get3A_67] : memref<8x16384xf32, #tpu.memory_space<vmem>>, vector<8x4096xf32>
    %slice3A_69 = vector.extract_strided_slice %get3A_68 {offsets = [0, 0], sizes = [1, 4096], strides = [1, 1]} : vector<8x4096xf32> to vector<1x4096xf32>
    %slice3A_70 = vector.extract_strided_slice %get3A_68 {offsets = [1, 0], sizes = [1, 4096], strides = [1, 1]} : vector<8x4096xf32> to vector<1x4096xf32>
    %slice3A_71 = vector.extract_strided_slice %get3A_68 {offsets = [2, 0], sizes = [1, 4096], strides = [1, 1]} : vector<8x4096xf32> to vector<1x4096xf32>
    %slice3A_72 = vector.extract_strided_slice %get3A_68 {offsets = [3, 0], sizes = [1, 4096], strides = [1, 1]} : vector<8x4096xf32> to vector<1x4096xf32>
    %slice3A_73 = vector.extract_strided_slice %get3A_68 {offsets = [4, 0], sizes = [1, 4096], strides = [1, 1]} : vector<8x4096xf32> to vector<1x4096xf32>
    %min3A_74 = vector.broadcast %slice3A_71 : vector<1x4096xf32> to vector<56x4096xf32>
    %min3A_75 = vector.broadcast %slice3A_10 : vector<56x1xf32> to vector<56x4096xf32>
    %min3A_76 = arith.minimumf %min3A_74, %min3A_75 : vector<56x4096xf32>
    %max3A_77 = vector.broadcast %slice3A_69 : vector<1x4096xf32> to vector<56x4096xf32>
    %max3A_78 = vector.broadcast %slice3A : vector<56x1xf32> to vector<56x4096xf32>
    %max3A_79 = arith.maximumf %max3A_77, %max3A_78 : vector<56x4096xf32>
    %sub3A_80 = arith.subf %min3A_76, %max3A_79 : vector<56x4096xf32>
    %max3A_81 = arith.constant 0.000000e+00 : f32
    %max3A_82 = vector.broadcast %max3A_81 : f32 to vector<56x4096xf32>
    %max3A_83 = arith.maximumf %sub3A_80, %max3A_82 : vector<56x4096xf32>
    %min3A_84 = vector.broadcast %slice3A_72 : vector<1x4096xf32> to vector<56x4096xf32>
    %min3A_85 = vector.broadcast %slice3A_11 : vector<56x1xf32> to vector<56x4096xf32>
    %min3A_86 = arith.minimumf %min3A_84, %min3A_85 : vector<56x4096xf32>
    %max3A_87 = vector.broadcast %slice3A_70 : vector<1x4096xf32> to vector<56x4096xf32>
    %max3A_88 = vector.broadcast %slice3A_9 : vector<56x1xf32> to vector<56x4096xf32>
    %max3A_89 = arith.maximumf %max3A_87, %max3A_88 : vector<56x4096xf32>
    %sub3A_90 = arith.subf %min3A_86, %max3A_89 : vector<56x4096xf32>
    %max3A_91 = arith.constant 0.000000e+00 : f32
    %max3A_92 = vector.broadcast %max3A_91 : f32 to vector<56x4096xf32>
    %max3A_93 = arith.maximumf %sub3A_90, %max3A_92 : vector<56x4096xf32>
    %mul3A_94 = arith.mulf %max3A_83, %max3A_93 : vector<56x4096xf32>
    %add3A_95 = vector.broadcast %mul3A : vector<56x1xf32> to vector<56x4096xf32>
    %add3A_96 = vector.broadcast %slice3A_73 : vector<1x4096xf32> to vector<56x4096xf32>
    %add3A_97 = arith.addf %add3A_95, %add3A_96 : vector<56x4096xf32>
    %sub3A_98 = arith.subf %add3A_97, %mul3A_94 : vector<56x4096xf32>
    %div3A_99 = arith.divf %mul3A_94, %sub3A_98 : vector<56x4096xf32>
    %jit3A_100 = arith.constant -1.000000e+00 : f32
    %broadcast_in_dim3A_101 = vector.shape_cast %gt3A_14 : vector<56x1xi1> to vector<56x1xi1>
    %broadcast_in_dim3A_102 = vector.broadcast %broadcast_in_dim3A_101 : vector<56x1xi1> to vector<56x4096xi1>
    %broadcast_in_dim3A_103 = vector.broadcast %jit3A_100 : f32 to vector<56x4096xf32>
    %select_n3A_104 = arith.select %broadcast_in_dim3A_102, %div3A_99, %broadcast_in_dim3A_103 : vector<56x4096xi1>, vector<56x4096xf32>
    %reduce_max3A_105 = arith.constant dense<0xFF800000> : vector<4096xf32>
    %reduce_max3A_106 = vector.multi_reduction <maximumf>, %select_n3A_104, %reduce_max3A_105 [0] : vector<56x4096xf32> to vector<4096xf32>
    %broadcast_in_dim3A_107 = vector.shape_cast %reduce_max3A_106 : vector<4096xf32> to vector<1x4096xf32>
    %argmax3A_108 = tpu.reduce_index %select_n3A_104 {axis = 0 : i32, kind = #tpu.reduction_kind<arg_max>} : vector<56x4096xf32> -> vector<4096xi32>
    %broadcast_in_dim3A_109 = vector.shape_cast %argmax3A_108 : vector<4096xi32> to vector<1x4096xi32>
    %reduce_max3A_110 = arith.constant dense<0xFF800000> : vector<56xf32>
    %reduce_max3A_111 = vector.multi_reduction <maximumf>, %select_n3A_104, %reduce_max3A_110 [1] : vector<56x4096xf32> to vector<56xf32>
    %broadcast_in_dim3A_112 = vector.shape_cast %reduce_max3A_111 : vector<56xf32> to vector<56x1xf32>
    %argmax3A_113 = tpu.reduce_index %select_n3A_104 {axis = 1 : i32, kind = #tpu.reduction_kind<arg_max>} : vector<56x4096xf32> -> vector<56xi32>
    %broadcast_in_dim3A_114 = vector.shape_cast %argmax3A_113 : vector<56xi32> to vector<56x1xi32>
    %add3A_115 = arith.constant 4096 : i32
    %add3A_116 = vector.broadcast %add3A_115 : i32 to vector<56x1xi32>
    %add3A_117 = arith.addi %broadcast_in_dim3A_114, %add3A_116 : vector<56x1xi32>
    %gt3A_118 = arith.cmpf ogt, %broadcast_in_dim3A_112, %select_n3A_65 : vector<56x1xf32>
    %select_n3A_119 = arith.select %gt3A_118, %add3A_117, %select_n3A_64 : vector<56x1xi1>, vector<56x1xi32>
    %select_n3A_120 = arith.select %gt3A_118, %broadcast_in_dim3A_112, %select_n3A_65 : vector<56x1xi1>, vector<56x1xf32>
    %get3A_121 = arith.constant 0 : index
    %get3A_122 = arith.constant 8192 : index
    %get3A_123 = vector.load %arg3[%get3A_121, %get3A_122] : memref<8x16384xf32, #tpu.memory_space<vmem>>, vector<8x4096xf32>
    %slice3A_124 = vector.extract_strided_slice %get3A_123 {offsets = [0, 0], sizes = [1, 4096], strides = [1, 1]} : vector<8x4096xf32> to vector<1x4096xf32>
    %slice3A_125 = vector.extract_strided_slice %get3A_123 {offsets = [1, 0], sizes = [1, 4096], strides = [1, 1]} : vector<8x4096xf32> to vector<1x4096xf32>
    %slice3A_126 = vector.extract_strided_slice %get3A_123 {offsets = [2, 0], sizes = [1, 4096], strides = [1, 1]} : vector<8x4096xf32> to vector<1x4096xf32>
    %slice3A_127 = vector.extract_strided_slice %get3A_123 {offsets = [3, 0], sizes = [1, 4096], strides = [1, 1]} : vector<8x4096xf32> to vector<1x4096xf32>
    %slice3A_128 = vector.extract_strided_slice %get3A_123 {offsets = [4, 0], sizes = [1, 4096], strides = [1, 1]} : vector<8x4096xf32> to vector<1x4096xf32>
    %min3A_129 = vector.broadcast %slice3A_126 : vector<1x4096xf32> to vector<56x4096xf32>
    %min3A_130 = vector.broadcast %slice3A_10 : vector<56x1xf32> to vector<56x4096xf32>
    %min3A_131 = arith.minimumf %min3A_129, %min3A_130 : vector<56x4096xf32>
    %max3A_132 = vector.broadcast %slice3A_124 : vector<1x4096xf32> to vector<56x4096xf32>
    %max3A_133 = vector.broadcast %slice3A : vector<56x1xf32> to vector<56x4096xf32>
    %max3A_134 = arith.maximumf %max3A_132, %max3A_133 : vector<56x4096xf32>
    %sub3A_135 = arith.subf %min3A_131, %max3A_134 : vector<56x4096xf32>
    %max3A_136 = arith.constant 0.000000e+00 : f32
    %max3A_137 = vector.broadcast %max3A_136 : f32 to vector<56x4096xf32>
    %max3A_138 = arith.maximumf %sub3A_135, %max3A_137 : vector<56x4096xf32>
    %min3A_139 = vector.broadcast %slice3A_127 : vector<1x4096xf32> to vector<56x4096xf32>
    %min3A_140 = vector.broadcast %slice3A_11 : vector<56x1xf32> to vector<56x4096xf32>
    %min3A_141 = arith.minimumf %min3A_139, %min3A_140 : vector<56x4096xf32>
    %max3A_142 = vector.broadcast %slice3A_125 : vector<1x4096xf32> to vector<56x4096xf32>
    %max3A_143 = vector.broadcast %slice3A_9 : vector<56x1xf32> to vector<56x4096xf32>
    %max3A_144 = arith.maximumf %max3A_142, %max3A_143 : vector<56x4096xf32>
    %sub3A_145 = arith.subf %min3A_141, %max3A_144 : vector<56x4096xf32>
    %max3A_146 = arith.constant 0.000000e+00 : f32
    %max3A_147 = vector.broadcast %max3A_146 : f32 to vector<56x4096xf32>
    %max3A_148 = arith.maximumf %sub3A_145, %max3A_147 : vector<56x4096xf32>
    %mul3A_149 = arith.mulf %max3A_138, %max3A_148 : vector<56x4096xf32>
    %add3A_150 = vector.broadcast %mul3A : vector<56x1xf32> to vector<56x4096xf32>
    %add3A_151 = vector.broadcast %slice3A_128 : vector<1x4096xf32> to vector<56x4096xf32>
    %add3A_152 = arith.addf %add3A_150, %add3A_151 : vector<56x4096xf32>
    %sub3A_153 = arith.subf %add3A_152, %mul3A_149 : vector<56x4096xf32>
    %div3A_154 = arith.divf %mul3A_149, %sub3A_153 : vector<56x4096xf32>
    %jit3A_155 = arith.constant -1.000000e+00 : f32
    %broadcast_in_dim3A_156 = vector.shape_cast %gt3A_14 : vector<56x1xi1> to vector<56x1xi1>
    %broadcast_in_dim3A_157 = vector.broadcast %broadcast_in_dim3A_156 : vector<56x1xi1> to vector<56x4096xi1>
    %broadcast_in_dim3A_158 = vector.broadcast %jit3A_155 : f32 to vector<56x4096xf32>
    %select_n3A_159 = arith.select %broadcast_in_dim3A_157, %div3A_154, %broadcast_in_dim3A_158 : vector<56x4096xi1>, vector<56x4096xf32>
    %reduce_max3A_160 = arith.constant dense<0xFF800000> : vector<4096xf32>
    %reduce_max3A_161 = vector.multi_reduction <maximumf>, %select_n3A_159, %reduce_max3A_160 [0] : vector<56x4096xf32> to vector<4096xf32>
    %broadcast_in_dim3A_162 = vector.shape_cast %reduce_max3A_161 : vector<4096xf32> to vector<1x4096xf32>
    %argmax3A_163 = tpu.reduce_index %select_n3A_159 {axis = 0 : i32, kind = #tpu.reduction_kind<arg_max>} : vector<56x4096xf32> -> vector<4096xi32>
    %broadcast_in_dim3A_164 = vector.shape_cast %argmax3A_163 : vector<4096xi32> to vector<1x4096xi32>
    %reduce_max3A_165 = arith.constant dense<0xFF800000> : vector<56xf32>
    %reduce_max3A_166 = vector.multi_reduction <maximumf>, %select_n3A_159, %reduce_max3A_165 [1] : vector<56x4096xf32> to vector<56xf32>
    %broadcast_in_dim3A_167 = vector.shape_cast %reduce_max3A_166 : vector<56xf32> to vector<56x1xf32>
    %argmax3A_168 = tpu.reduce_index %select_n3A_159 {axis = 1 : i32, kind = #tpu.reduction_kind<arg_max>} : vector<56x4096xf32> -> vector<56xi32>
    %broadcast_in_dim3A_169 = vector.shape_cast %argmax3A_168 : vector<56xi32> to vector<56x1xi32>
    %add3A_170 = arith.constant 8192 : i32
    %add3A_171 = vector.broadcast %add3A_170 : i32 to vector<56x1xi32>
    %add3A_172 = arith.addi %broadcast_in_dim3A_169, %add3A_171 : vector<56x1xi32>
    %gt3A_173 = arith.cmpf ogt, %broadcast_in_dim3A_167, %select_n3A_120 : vector<56x1xf32>
    %select_n3A_174 = arith.select %gt3A_173, %add3A_172, %select_n3A_119 : vector<56x1xi1>, vector<56x1xi32>
    %select_n3A_175 = arith.select %gt3A_173, %broadcast_in_dim3A_167, %select_n3A_120 : vector<56x1xi1>, vector<56x1xf32>
    %get3A_176 = arith.constant 0 : index
    %get3A_177 = arith.constant 12288 : index
    %get3A_178 = vector.load %arg3[%get3A_176, %get3A_177] : memref<8x16384xf32, #tpu.memory_space<vmem>>, vector<8x4096xf32>
    %slice3A_179 = vector.extract_strided_slice %get3A_178 {offsets = [0, 0], sizes = [1, 4096], strides = [1, 1]} : vector<8x4096xf32> to vector<1x4096xf32>
    %slice3A_180 = vector.extract_strided_slice %get3A_178 {offsets = [1, 0], sizes = [1, 4096], strides = [1, 1]} : vector<8x4096xf32> to vector<1x4096xf32>
    %slice3A_181 = vector.extract_strided_slice %get3A_178 {offsets = [2, 0], sizes = [1, 4096], strides = [1, 1]} : vector<8x4096xf32> to vector<1x4096xf32>
    %slice3A_182 = vector.extract_strided_slice %get3A_178 {offsets = [3, 0], sizes = [1, 4096], strides = [1, 1]} : vector<8x4096xf32> to vector<1x4096xf32>
    %slice3A_183 = vector.extract_strided_slice %get3A_178 {offsets = [4, 0], sizes = [1, 4096], strides = [1, 1]} : vector<8x4096xf32> to vector<1x4096xf32>
    %min3A_184 = vector.broadcast %slice3A_181 : vector<1x4096xf32> to vector<56x4096xf32>
    %min3A_185 = vector.broadcast %slice3A_10 : vector<56x1xf32> to vector<56x4096xf32>
    %min3A_186 = arith.minimumf %min3A_184, %min3A_185 : vector<56x4096xf32>
    %max3A_187 = vector.broadcast %slice3A_179 : vector<1x4096xf32> to vector<56x4096xf32>
    %max3A_188 = vector.broadcast %slice3A : vector<56x1xf32> to vector<56x4096xf32>
    %max3A_189 = arith.maximumf %max3A_187, %max3A_188 : vector<56x4096xf32>
    %sub3A_190 = arith.subf %min3A_186, %max3A_189 : vector<56x4096xf32>
    %max3A_191 = arith.constant 0.000000e+00 : f32
    %max3A_192 = vector.broadcast %max3A_191 : f32 to vector<56x4096xf32>
    %max3A_193 = arith.maximumf %sub3A_190, %max3A_192 : vector<56x4096xf32>
    %min3A_194 = vector.broadcast %slice3A_182 : vector<1x4096xf32> to vector<56x4096xf32>
    %min3A_195 = vector.broadcast %slice3A_11 : vector<56x1xf32> to vector<56x4096xf32>
    %min3A_196 = arith.minimumf %min3A_194, %min3A_195 : vector<56x4096xf32>
    %max3A_197 = vector.broadcast %slice3A_180 : vector<1x4096xf32> to vector<56x4096xf32>
    %max3A_198 = vector.broadcast %slice3A_9 : vector<56x1xf32> to vector<56x4096xf32>
    %max3A_199 = arith.maximumf %max3A_197, %max3A_198 : vector<56x4096xf32>
    %sub3A_200 = arith.subf %min3A_196, %max3A_199 : vector<56x4096xf32>
    %max3A_201 = arith.constant 0.000000e+00 : f32
    %max3A_202 = vector.broadcast %max3A_201 : f32 to vector<56x4096xf32>
    %max3A_203 = arith.maximumf %sub3A_200, %max3A_202 : vector<56x4096xf32>
    %mul3A_204 = arith.mulf %max3A_193, %max3A_203 : vector<56x4096xf32>
    %add3A_205 = vector.broadcast %mul3A : vector<56x1xf32> to vector<56x4096xf32>
    %add3A_206 = vector.broadcast %slice3A_183 : vector<1x4096xf32> to vector<56x4096xf32>
    %add3A_207 = arith.addf %add3A_205, %add3A_206 : vector<56x4096xf32>
    %sub3A_208 = arith.subf %add3A_207, %mul3A_204 : vector<56x4096xf32>
    %div3A_209 = arith.divf %mul3A_204, %sub3A_208 : vector<56x4096xf32>
    %jit3A_210 = arith.constant -1.000000e+00 : f32
    %broadcast_in_dim3A_211 = vector.shape_cast %gt3A_14 : vector<56x1xi1> to vector<56x1xi1>
    %broadcast_in_dim3A_212 = vector.broadcast %broadcast_in_dim3A_211 : vector<56x1xi1> to vector<56x4096xi1>
    %broadcast_in_dim3A_213 = vector.broadcast %jit3A_210 : f32 to vector<56x4096xf32>
    %select_n3A_214 = arith.select %broadcast_in_dim3A_212, %div3A_209, %broadcast_in_dim3A_213 : vector<56x4096xi1>, vector<56x4096xf32>
    %reduce_max3A_215 = arith.constant dense<0xFF800000> : vector<4096xf32>
    %reduce_max3A_216 = vector.multi_reduction <maximumf>, %select_n3A_214, %reduce_max3A_215 [0] : vector<56x4096xf32> to vector<4096xf32>
    %broadcast_in_dim3A_217 = vector.shape_cast %reduce_max3A_216 : vector<4096xf32> to vector<1x4096xf32>
    %argmax3A_218 = tpu.reduce_index %select_n3A_214 {axis = 0 : i32, kind = #tpu.reduction_kind<arg_max>} : vector<56x4096xf32> -> vector<4096xi32>
    %broadcast_in_dim3A_219 = vector.shape_cast %argmax3A_218 : vector<4096xi32> to vector<1x4096xi32>
    %reduce_max3A_220 = arith.constant dense<0xFF800000> : vector<56xf32>
    %reduce_max3A_221 = vector.multi_reduction <maximumf>, %select_n3A_214, %reduce_max3A_220 [1] : vector<56x4096xf32> to vector<56xf32>
    %broadcast_in_dim3A_222 = vector.shape_cast %reduce_max3A_221 : vector<56xf32> to vector<56x1xf32>
    %argmax3A_223 = tpu.reduce_index %select_n3A_214 {axis = 1 : i32, kind = #tpu.reduction_kind<arg_max>} : vector<56x4096xf32> -> vector<56xi32>
    %broadcast_in_dim3A_224 = vector.shape_cast %argmax3A_223 : vector<56xi32> to vector<56x1xi32>
    %add3A_225 = arith.constant 12288 : i32
    %add3A_226 = vector.broadcast %add3A_225 : i32 to vector<56x1xi32>
    %add3A_227 = arith.addi %broadcast_in_dim3A_224, %add3A_226 : vector<56x1xi32>
    %gt3A_228 = arith.cmpf ogt, %broadcast_in_dim3A_222, %select_n3A_175 : vector<56x1xf32>
    %select_n3A_229 = arith.select %gt3A_228, %add3A_227, %select_n3A_174 : vector<56x1xi1>, vector<56x1xi32>
    %iota3A = tpu.iota {dimensions = array<i32: 1>} : vector<56x4096xi32>
    %add3A_230 = arith.constant 0 : i32
    %add3A_231 = vector.broadcast %add3A_230 : i32 to vector<56x4096xi32>
    %add3A_232 = arith.addi %iota3A, %add3A_231 : vector<56x4096xi32>
    %iota3A_233 = tpu.iota {dimensions = array<i32: 0>} : vector<56x4096xi32>
    %eq3A = vector.broadcast %select_n3A_229 : vector<56x1xi32> to vector<56x4096xi32>
    %eq3A_234 = arith.cmpi eq, %eq3A, %add3A_232 : vector<56x4096xi32>
    %and3A = vector.broadcast %gt3A_14 : vector<56x1xi1> to vector<56x4096xi1>
    %and3A_235 = arith.andi %eq3A_234, %and3A : vector<56x4096xi1>
    %jit3A_236 = arith.constant -1 : i32
    %broadcast_in_dim3A_237 = vector.broadcast %jit3A_236 : i32 to vector<56x4096xi32>
    %select_n3A_238 = arith.select %and3A_235, %iota3A_233, %broadcast_in_dim3A_237 : vector<56x4096xi1>, vector<56x4096xi32>
    %reduce_max3A_239 = arith.constant dense<-2147483648> : vector<4096xi32>
    %reduce_max3A_240 = vector.multi_reduction <maxsi>, %select_n3A_238, %reduce_max3A_239 [0] : vector<56x4096xi32> to vector<4096xi32>
    %broadcast_in_dim3A_241 = vector.shape_cast %reduce_max3A_240 : vector<4096xi32> to vector<1x4096xi32>
    %ge3A = arith.constant 0 : i32
    %ge3A_242 = vector.broadcast %ge3A : i32 to vector<1x4096xi32>
    %ge3A_243 = arith.cmpi sge, %broadcast_in_dim3A_241, %ge3A_242 : vector<1x4096xi32>
    %jit3A_244 = arith.constant 2.000000e+00 : f32
    %broadcast_in_dim3A_245 = vector.broadcast %jit3A_244 : f32 to vector<1x4096xf32>
    %select_n3A_246 = arith.select %ge3A_243, %broadcast_in_dim3A_245, %broadcast_in_dim3A_53 : vector<1x4096xi1>, vector<1x4096xf32>
    %select_n3A_247 = arith.select %ge3A_243, %broadcast_in_dim3A_241, %broadcast_in_dim3A_54 : vector<1x4096xi1>, vector<1x4096xi32>
    %eq3A_248 = vector.broadcast %select_n3A_247 : vector<1x4096xi32> to vector<56x4096xi32>
    %eq3A_249 = arith.cmpi eq, %iota3A_233, %eq3A_248 : vector<56x4096xi32>
    %convert_element_type3A = arith.extui %eq3A_249 : vector<56x4096xi1> to vector<56x4096xi32>
    %convert_element_type3A_250 = arith.sitofp %convert_element_type3A : vector<56x4096xi32> to vector<56x4096xf32>
    %dot_general3A = arith.constant dense<0.000000e+00> : vector<8x4096xf32>
    %dot_general3A_251 = tpu.matmul %get3A_3, %convert_element_type3A_250, %dot_general3A {dimension_numbers = #tpu.dot_dimension_numbers<[1], [0], [0], [1], [0, 0, 1, 1], [], []>, transpose_lhs_hint = false} : vector<8x56xf32>, vector<56x4096xf32>, vector<8x4096xf32> -> vector<8x4096xf32>
    %slice3A_252 = vector.extract_strided_slice %dot_general3A_251 {offsets = [0, 0], sizes = [1, 4096], strides = [1, 1]} : vector<8x4096xf32> to vector<1x4096xf32>
    %slice3A_253 = vector.extract_strided_slice %dot_general3A_251 {offsets = [1, 0], sizes = [1, 4096], strides = [1, 1]} : vector<8x4096xf32> to vector<1x4096xf32>
    %slice3A_254 = vector.extract_strided_slice %dot_general3A_251 {offsets = [2, 0], sizes = [1, 4096], strides = [1, 1]} : vector<8x4096xf32> to vector<1x4096xf32>
    %slice3A_255 = vector.extract_strided_slice %dot_general3A_251 {offsets = [3, 0], sizes = [1, 4096], strides = [1, 1]} : vector<8x4096xf32> to vector<1x4096xf32>
    %slice3A_256 = vector.extract_strided_slice %dot_general3A_251 {offsets = [4, 0], sizes = [1, 4096], strides = [1, 1]} : vector<8x4096xf32> to vector<1x4096xf32>
    %lt3A = arith.constant 5.000000e-01 : f32
    %lt3A_257 = vector.broadcast %lt3A : f32 to vector<1x4096xf32>
    %lt3A_258 = arith.cmpf olt, %select_n3A_246, %lt3A_257 : vector<1x4096xf32>
    %convert_element_type3A_259 = arith.fptosi %slice3A_256 : vector<1x4096xf32> to vector<1x4096xi32>
    %jit3A_260 = arith.constant 0 : i32
    %broadcast_in_dim3A_261 = vector.broadcast %jit3A_260 : i32 to vector<1x4096xi32>
    %select_n3A_262 = arith.select %lt3A_258, %broadcast_in_dim3A_261, %convert_element_type3A_259 : vector<1x4096xi1>, vector<1x4096xi32>
    %gt3A_263 = arith.constant 0 : i32
    %gt3A_264 = vector.broadcast %gt3A_263 : i32 to vector<1x4096xi32>
    %gt3A_265 = arith.cmpi sgt, %select_n3A_262, %gt3A_264 : vector<1x4096xi32>
    %get3A_266 = arith.constant 0 : index
    %get3A_267 = arith.constant 0 : index
    %get3A_268 = vector.load %arg4[%get3A_266, %get3A_267] : memref<8x16384xf32, #tpu.memory_space<vmem>>, vector<8x4096xf32>
    %add3A_269 = arith.addf %slice3A_252, %slice3A_254 : vector<1x4096xf32>
    %mul3A_270 = arith.constant 5.000000e-01 : f32
    %mul3A_271 = vector.broadcast %mul3A_270 : f32 to vector<1x4096xf32>
    %mul3A_272 = arith.mulf %add3A_269, %mul3A_271 : vector<1x4096xf32>
    %slice3A_273 = vector.extract_strided_slice %get3A_268 {offsets = [0, 0], sizes = [1, 4096], strides = [1, 1]} : vector<8x4096xf32> to vector<1x4096xf32>
    %sub3A_274 = arith.subf %mul3A_272, %slice3A_273 : vector<1x4096xf32>
    %slice3A_275 = vector.extract_strided_slice %get3A_268 {offsets = [2, 0], sizes = [1, 4096], strides = [1, 1]} : vector<8x4096xf32> to vector<1x4096xf32>
    %mul3A_276 = arith.mulf %sub3A_274, %slice3A_275 : vector<1x4096xf32>
    %add3A_277 = arith.addf %slice3A_253, %slice3A_255 : vector<1x4096xf32>
    %mul3A_278 = arith.constant 5.000000e-01 : f32
    %mul3A_279 = vector.broadcast %mul3A_278 : f32 to vector<1x4096xf32>
    %mul3A_280 = arith.mulf %add3A_277, %mul3A_279 : vector<1x4096xf32>
    %slice3A_281 = vector.extract_strided_slice %get3A_268 {offsets = [1, 0], sizes = [1, 4096], strides = [1, 1]} : vector<8x4096xf32> to vector<1x4096xf32>
    %sub3A_282 = arith.subf %mul3A_280, %slice3A_281 : vector<1x4096xf32>
    %slice3A_283 = vector.extract_strided_slice %get3A_268 {offsets = [3, 0], sizes = [1, 4096], strides = [1, 1]} : vector<8x4096xf32> to vector<1x4096xf32>
    %mul3A_284 = arith.mulf %sub3A_282, %slice3A_283 : vector<1x4096xf32>
    %sub3A_285 = arith.subf %slice3A_254, %slice3A_252 : vector<1x4096xf32>
    %slice3A_286 = vector.extract_strided_slice %get3A_268 {offsets = [4, 0], sizes = [1, 4096], strides = [1, 1]} : vector<8x4096xf32> to vector<1x4096xf32>
    %mul3A_287 = arith.mulf %sub3A_285, %slice3A_286 : vector<1x4096xf32>
    %max3A_288 = arith.constant 1.000000e-30 : f32
    %max3A_289 = vector.broadcast %max3A_288 : f32 to vector<1x4096xf32>
    %max3A_290 = arith.maximumf %mul3A_287, %max3A_289 : vector<1x4096xf32>
    %log3A = math.log %max3A_290 : vector<1x4096xf32>
    %mul3A_291 = arith.constant 5.000000e+00 : f32
    %mul3A_292 = vector.broadcast %mul3A_291 : f32 to vector<1x4096xf32>
    %mul3A_293 = arith.mulf %log3A, %mul3A_292 : vector<1x4096xf32>
    %sub3A_294 = arith.subf %slice3A_255, %slice3A_253 : vector<1x4096xf32>
    %slice3A_295 = vector.extract_strided_slice %get3A_268 {offsets = [5, 0], sizes = [1, 4096], strides = [1, 1]} : vector<8x4096xf32> to vector<1x4096xf32>
    %mul3A_296 = arith.mulf %sub3A_294, %slice3A_295 : vector<1x4096xf32>
    %max3A_297 = arith.constant 1.000000e-30 : f32
    %max3A_298 = vector.broadcast %max3A_297 : f32 to vector<1x4096xf32>
    %max3A_299 = arith.maximumf %mul3A_296, %max3A_298 : vector<1x4096xf32>
    %log3A_300 = math.log %max3A_299 : vector<1x4096xf32>
    %mul3A_301 = arith.constant 5.000000e+00 : f32
    %mul3A_302 = vector.broadcast %mul3A_301 : f32 to vector<1x4096xf32>
    %mul3A_303 = arith.mulf %log3A_300, %mul3A_302 : vector<1x4096xf32>
    %get3A_304 = arith.constant 0 : index
    %get3A_305 = arith.constant 0 : index
    %get3A_306 = arith.constant 0 : index
    %get3A_307 = vector.load %arg5[%get3A_304, %get3A_305, %get3A_306] : memref<1x8x16384xf32, #tpu.memory_space<vmem>>, vector<1x8x4096xf32>
    %get3A_308 = vector.shape_cast %get3A_307 : vector<1x8x4096xf32> to vector<8x4096xf32>
    %slice3A_309 = vector.extract_strided_slice %get3A_308 {offsets = [0, 0], sizes = [1, 4096], strides = [1, 1]} : vector<8x4096xf32> to vector<1x4096xf32>
    %sub3A_310 = arith.subf %slice3A_309, %mul3A_276 : vector<1x4096xf32>
    %abs3A = math.absf %sub3A_310 : vector<1x4096xf32>
    %lt3A_311 = arith.constant 1.000000e+00 : f32
    %lt3A_312 = vector.broadcast %lt3A_311 : f32 to vector<1x4096xf32>
    %lt3A_313 = arith.cmpf olt, %abs3A, %lt3A_312 : vector<1x4096xf32>
    %mul3A_314 = arith.constant 5.000000e-01 : f32
    %mul3A_315 = vector.broadcast %mul3A_314 : f32 to vector<1x4096xf32>
    %mul3A_316 = arith.mulf %mul3A_315, %sub3A_310 : vector<1x4096xf32>
    %mul3A_317 = arith.mulf %mul3A_316, %sub3A_310 : vector<1x4096xf32>
    %sub3A_318 = arith.constant 5.000000e-01 : f32
    %sub3A_319 = vector.broadcast %sub3A_318 : f32 to vector<1x4096xf32>
    %sub3A_320 = arith.subf %abs3A, %sub3A_319 : vector<1x4096xf32>
    %select_n3A_321 = arith.select %lt3A_313, %mul3A_317, %sub3A_320 : vector<1x4096xi1>, vector<1x4096xf32>
    %slice3A_322 = vector.extract_strided_slice %get3A_308 {offsets = [1, 0], sizes = [1, 4096], strides = [1, 1]} : vector<8x4096xf32> to vector<1x4096xf32>
    %sub3A_323 = arith.subf %slice3A_322, %mul3A_284 : vector<1x4096xf32>
    %abs3A_324 = math.absf %sub3A_323 : vector<1x4096xf32>
    %lt3A_325 = arith.constant 1.000000e+00 : f32
    %lt3A_326 = vector.broadcast %lt3A_325 : f32 to vector<1x4096xf32>
    %lt3A_327 = arith.cmpf olt, %abs3A_324, %lt3A_326 : vector<1x4096xf32>
    %mul3A_328 = arith.constant 5.000000e-01 : f32
    %mul3A_329 = vector.broadcast %mul3A_328 : f32 to vector<1x4096xf32>
    %mul3A_330 = arith.mulf %mul3A_329, %sub3A_323 : vector<1x4096xf32>
    %mul3A_331 = arith.mulf %mul3A_330, %sub3A_323 : vector<1x4096xf32>
    %sub3A_332 = arith.constant 5.000000e-01 : f32
    %sub3A_333 = vector.broadcast %sub3A_332 : f32 to vector<1x4096xf32>
    %sub3A_334 = arith.subf %abs3A_324, %sub3A_333 : vector<1x4096xf32>
    %select_n3A_335 = arith.select %lt3A_327, %mul3A_331, %sub3A_334 : vector<1x4096xi1>, vector<1x4096xf32>
    %add3A_336 = arith.addf %select_n3A_321, %select_n3A_335 : vector<1x4096xf32>
    %slice3A_337 = vector.extract_strided_slice %get3A_308 {offsets = [2, 0], sizes = [1, 4096], strides = [1, 1]} : vector<8x4096xf32> to vector<1x4096xf32>
    %sub3A_338 = arith.subf %slice3A_337, %mul3A_293 : vector<1x4096xf32>
    %abs3A_339 = math.absf %sub3A_338 : vector<1x4096xf32>
    %lt3A_340 = arith.constant 1.000000e+00 : f32
    %lt3A_341 = vector.broadcast %lt3A_340 : f32 to vector<1x4096xf32>
    %lt3A_342 = arith.cmpf olt, %abs3A_339, %lt3A_341 : vector<1x4096xf32>
    %mul3A_343 = arith.constant 5.000000e-01 : f32
    %mul3A_344 = vector.broadcast %mul3A_343 : f32 to vector<1x4096xf32>
    %mul3A_345 = arith.mulf %mul3A_344, %sub3A_338 : vector<1x4096xf32>
    %mul3A_346 = arith.mulf %mul3A_345, %sub3A_338 : vector<1x4096xf32>
    %sub3A_347 = arith.constant 5.000000e-01 : f32
    %sub3A_348 = vector.broadcast %sub3A_347 : f32 to vector<1x4096xf32>
    %sub3A_349 = arith.subf %abs3A_339, %sub3A_348 : vector<1x4096xf32>
    %select_n3A_350 = arith.select %lt3A_342, %mul3A_346, %sub3A_349 : vector<1x4096xi1>, vector<1x4096xf32>
    %add3A_351 = arith.addf %add3A_336, %select_n3A_350 : vector<1x4096xf32>
    %slice3A_352 = vector.extract_strided_slice %get3A_308 {offsets = [3, 0], sizes = [1, 4096], strides = [1, 1]} : vector<8x4096xf32> to vector<1x4096xf32>
    %sub3A_353 = arith.subf %slice3A_352, %mul3A_303 : vector<1x4096xf32>
    %abs3A_354 = math.absf %sub3A_353 : vector<1x4096xf32>
    %lt3A_355 = arith.constant 1.000000e+00 : f32
    %lt3A_356 = vector.broadcast %lt3A_355 : f32 to vector<1x4096xf32>
    %lt3A_357 = arith.cmpf olt, %abs3A_354, %lt3A_356 : vector<1x4096xf32>
    %mul3A_358 = arith.constant 5.000000e-01 : f32
    %mul3A_359 = vector.broadcast %mul3A_358 : f32 to vector<1x4096xf32>
    %mul3A_360 = arith.mulf %mul3A_359, %sub3A_353 : vector<1x4096xf32>
    %mul3A_361 = arith.mulf %mul3A_360, %sub3A_353 : vector<1x4096xf32>
    %sub3A_362 = arith.constant 5.000000e-01 : f32
    %sub3A_363 = vector.broadcast %sub3A_362 : f32 to vector<1x4096xf32>
    %sub3A_364 = arith.subf %abs3A_354, %sub3A_363 : vector<1x4096xf32>
    %select_n3A_365 = arith.select %lt3A_357, %mul3A_361, %sub3A_364 : vector<1x4096xi1>, vector<1x4096xf32>
    %add3A_366 = arith.addf %add3A_351, %select_n3A_365 : vector<1x4096xf32>
    %jit3A_367 = arith.constant 0.000000e+00 : f32
    %broadcast_in_dim3A_368 = vector.broadcast %jit3A_367 : f32 to vector<1x4096xf32>
    %select_n3A_369 = arith.select %gt3A_265, %add3A_366, %broadcast_in_dim3A_368 : vector<1x4096xi1>, vector<1x4096xf32>
    %reduce_sum3A = vector.shape_cast %select_n3A_369 : vector<1x4096xf32> to vector<1x1x4096xf32>
    %reduce_sum3A_370 = arith.constant dense<0.000000e+00> : vector<1xf32>
    %reduce_sum3A_371 = vector.multi_reduction <add>, %reduce_sum3A, %reduce_sum3A_370 [1, 2] : vector<1x1x4096xf32> to vector<1xf32>
    %reduce_sum3A_372 = vector.shape_cast %reduce_sum3A_371 : vector<1xf32> to vector<1x1x1xf32>
    %reduce_sum3A_373 = vector.extract %reduce_sum3A_372[0, 0, 0] : f32 from vector<1x1x1xf32>
    %add3A_374 = arith.constant 0.000000e+00 : f32
    %add3A_375 = arith.addf %add3A_374, %reduce_sum3A_373 : f32
    %convert_element_type3A_376 = arith.extui %gt3A_265 : vector<1x4096xi1> to vector<1x4096xi32>
    %convert_element_type3A_377 = arith.sitofp %convert_element_type3A_376 : vector<1x4096xi32> to vector<1x4096xf32>
    %reduce_sum3A_378 = vector.shape_cast %convert_element_type3A_377 : vector<1x4096xf32> to vector<1x1x4096xf32>
    %reduce_sum3A_379 = arith.constant dense<0.000000e+00> : vector<1xf32>
    %reduce_sum3A_380 = vector.multi_reduction <add>, %reduce_sum3A_378, %reduce_sum3A_379 [1, 2] : vector<1x1x4096xf32> to vector<1xf32>
    %reduce_sum3A_381 = vector.shape_cast %reduce_sum3A_380 : vector<1xf32> to vector<1x1x1xf32>
    %reduce_sum3A_382 = vector.extract %reduce_sum3A_381[0, 0, 0] : f32 from vector<1x1x1xf32>
    %add3A_383 = arith.constant 0.000000e+00 : f32
    %add3A_384 = arith.addf %add3A_383, %reduce_sum3A_382 : f32
    %get3A_385 = arith.constant 0 : index
    %get3A_386 = arith.constant 0 : index
    %get3A_387 = arith.constant 0 : index
    %get3A_388 = vector.load %arg6[%get3A_385, %get3A_386, %get3A_387] : memref<1x24x16384xf32, #tpu.memory_space<vmem>>, vector<1x24x4096xf32>
    %get3A_389 = vector.shape_cast %get3A_388 : vector<1x24x4096xf32> to vector<24x4096xf32>
    %exp3A = math.exp %get3A_389 : vector<24x4096xf32>
    %reduce_sum3A_390 = arith.constant dense<0.000000e+00> : vector<4096xf32>
    %reduce_sum3A_391 = vector.multi_reduction <add>, %exp3A, %reduce_sum3A_390 [0] : vector<24x4096xf32> to vector<4096xf32>
    %broadcast_in_dim3A_392 = vector.shape_cast %reduce_sum3A_391 : vector<4096xf32> to vector<1x4096xf32>
    %log3A_393 = math.log %broadcast_in_dim3A_392 : vector<1x4096xf32>
    %iota3A_394 = tpu.iota {dimensions = array<i32: 0>} : vector<24x4096xi32>
    %eq3A_395 = vector.broadcast %select_n3A_262 : vector<1x4096xi32> to vector<24x4096xi32>
    %eq3A_396 = arith.cmpi eq, %iota3A_394, %eq3A_395 : vector<24x4096xi32>
    %jit3A_397 = arith.constant 0.000000e+00 : f32
    %broadcast_in_dim3A_398 = vector.broadcast %jit3A_397 : f32 to vector<24x4096xf32>
    %select_n3A_399 = arith.select %eq3A_396, %get3A_389, %broadcast_in_dim3A_398 : vector<24x4096xi1>, vector<24x4096xf32>
    %reduce_sum3A_400 = arith.constant dense<0.000000e+00> : vector<4096xf32>
    %reduce_sum3A_401 = vector.multi_reduction <add>, %select_n3A_399, %reduce_sum3A_400 [0] : vector<24x4096xf32> to vector<4096xf32>
    %broadcast_in_dim3A_402 = vector.shape_cast %reduce_sum3A_401 : vector<4096xf32> to vector<1x4096xf32>
    %sub3A_403 = arith.subf %log3A_393, %broadcast_in_dim3A_402 : vector<1x4096xf32>
    %jit3A_404 = arith.constant 0.000000e+00 : f32
    %broadcast_in_dim3A_405 = vector.broadcast %jit3A_404 : f32 to vector<1x4096xf32>
    %select_n3A_406 = arith.select %gt3A_265, %sub3A_403, %broadcast_in_dim3A_405 : vector<1x4096xi1>, vector<1x4096xf32>
    %reduce_sum3A_407 = vector.shape_cast %select_n3A_406 : vector<1x4096xf32> to vector<1x1x4096xf32>
    %reduce_sum3A_408 = arith.constant dense<0.000000e+00> : vector<1xf32>
    %reduce_sum3A_409 = vector.multi_reduction <add>, %reduce_sum3A_407, %reduce_sum3A_408 [1, 2] : vector<1x1x4096xf32> to vector<1xf32>
    %reduce_sum3A_410 = vector.shape_cast %reduce_sum3A_409 : vector<1xf32> to vector<1x1x1xf32>
    %reduce_sum3A_411 = vector.extract %reduce_sum3A_410[0, 0, 0] : f32 from vector<1x1x1xf32>
    %add3A_412 = arith.constant 0.000000e+00 : f32
    %add3A_413 = arith.addf %add3A_412, %reduce_sum3A_411 : f32
    %slice3A_414 = vector.extract_strided_slice %add3A_232 {offsets = [0, 0], sizes = [1, 4096], strides = [1, 1]} : vector<56x4096xi32> to vector<1x4096xi32>
    %ge3A_415 = arith.constant 16320 : i32
    %ge3A_416 = vector.broadcast %ge3A_415 : i32 to vector<1x4096xi32>
    %ge3A_417 = arith.cmpi sge, %slice3A_414, %ge3A_416 : vector<1x4096xi32>
    %or3A = arith.ori %gt3A_265, %ge3A_417 : vector<1x4096xi1>
    %jit3A_418 = arith.constant 0.000000e+00 : f32
    %broadcast_in_dim3A_419 = vector.broadcast %jit3A_418 : f32 to vector<1x4096xf32>
    %select_n3A_420 = arith.select %or3A, %broadcast_in_dim3A_419, %sub3A_403 : vector<1x4096xi1>, vector<1x4096xf32>
    %swap3A = arith.constant 0 : index
    %swap3A_421 = arith.constant 0 : index
    %swap3A_422 = arith.constant 0 : index
    %swap3A_423 = vector.load %arg7[%swap3A, %swap3A_421, %swap3A_422] : memref<1x1x16384xf32, #tpu.memory_space<vmem>>, vector<1x1x4096xf32>
    %swap3A_424 = vector.shape_cast %swap3A_423 : vector<1x1x4096xf32> to vector<1x4096xf32>
    %swap3A_425 = vector.shape_cast %select_n3A_420 : vector<1x4096xf32> to vector<1x1x4096xf32>
    tpu.vector_store %arg7[%swap3A, %swap3A_421, %swap3A_422], %swap3A_425 {strides = array<i32>} : memref<1x1x16384xf32, #tpu.memory_space<vmem>>, vector<1x1x4096xf32>,
    %iota3A_426 = tpu.iota {dimensions = array<i32: 1>} : vector<56x4096xi32>
    %add3A_427 = arith.constant 4096 : i32
    %add3A_428 = vector.broadcast %add3A_427 : i32 to vector<56x4096xi32>
    %add3A_429 = arith.addi %iota3A_426, %add3A_428 : vector<56x4096xi32>
    %iota3A_430 = tpu.iota {dimensions = array<i32: 0>} : vector<56x4096xi32>
    %eq3A_431 = vector.broadcast %select_n3A_229 : vector<56x1xi32> to vector<56x4096xi32>
    %eq3A_432 = arith.cmpi eq, %eq3A_431, %add3A_429 : vector<56x4096xi32>
    %and3A_433 = vector.broadcast %gt3A_14 : vector<56x1xi1> to vector<56x4096xi1>
    %and3A_434 = arith.andi %eq3A_432, %and3A_433 : vector<56x4096xi1>
    %jit3A_435 = arith.constant -1 : i32
    %broadcast_in_dim3A_436 = vector.broadcast %jit3A_435 : i32 to vector<56x4096xi32>
    %select_n3A_437 = arith.select %and3A_434, %iota3A_430, %broadcast_in_dim3A_436 : vector<56x4096xi1>, vector<56x4096xi32>
    %reduce_max3A_438 = arith.constant dense<-2147483648> : vector<4096xi32>
    %reduce_max3A_439 = vector.multi_reduction <maxsi>, %select_n3A_437, %reduce_max3A_438 [0] : vector<56x4096xi32> to vector<4096xi32>
    %broadcast_in_dim3A_440 = vector.shape_cast %reduce_max3A_439 : vector<4096xi32> to vector<1x4096xi32>
    %ge3A_441 = arith.constant 0 : i32
    %ge3A_442 = vector.broadcast %ge3A_441 : i32 to vector<1x4096xi32>
    %ge3A_443 = arith.cmpi sge, %broadcast_in_dim3A_440, %ge3A_442 : vector<1x4096xi32>
    %jit3A_444 = arith.constant 2.000000e+00 : f32
    %broadcast_in_dim3A_445 = vector.broadcast %jit3A_444 : f32 to vector<1x4096xf32>
    %select_n3A_446 = arith.select %ge3A_443, %broadcast_in_dim3A_445, %broadcast_in_dim3A_107 : vector<1x4096xi1>, vector<1x4096xf32>
    %select_n3A_447 = arith.select %ge3A_443, %broadcast_in_dim3A_440, %broadcast_in_dim3A_109 : vector<1x4096xi1>, vector<1x4096xi32>
    %eq3A_448 = vector.broadcast %select_n3A_447 : vector<1x4096xi32> to vector<56x4096xi32>
    %eq3A_449 = arith.cmpi eq, %iota3A_430, %eq3A_448 : vector<56x4096xi32>
    %convert_element_type3A_450 = arith.extui %eq3A_449 : vector<56x4096xi1> to vector<56x4096xi32>
    %convert_element_type3A_451 = arith.sitofp %convert_element_type3A_450 : vector<56x4096xi32> to vector<56x4096xf32>
    %dot_general3A_452 = arith.constant dense<0.000000e+00> : vector<8x4096xf32>
    %dot_general3A_453 = tpu.matmul %get3A_3, %convert_element_type3A_451, %dot_general3A_452 {dimension_numbers = #tpu.dot_dimension_numbers<[1], [0], [0], [1], [0, 0, 1, 1], [], []>, transpose_lhs_hint = false} : vector<8x56xf32>, vector<56x4096xf32>, vector<8x4096xf32> -> vector<8x4096xf32>
    %slice3A_454 = vector.extract_strided_slice %dot_general3A_453 {offsets = [0, 0], sizes = [1, 4096], strides = [1, 1]} : vector<8x4096xf32> to vector<1x4096xf32>
    %slice3A_455 = vector.extract_strided_slice %dot_general3A_453 {offsets = [1, 0], sizes = [1, 4096], strides = [1, 1]} : vector<8x4096xf32> to vector<1x4096xf32>
    %slice3A_456 = vector.extract_strided_slice %dot_general3A_453 {offsets = [2, 0], sizes = [1, 4096], strides = [1, 1]} : vector<8x4096xf32> to vector<1x4096xf32>
    %slice3A_457 = vector.extract_strided_slice %dot_general3A_453 {offsets = [3, 0], sizes = [1, 4096], strides = [1, 1]} : vector<8x4096xf32> to vector<1x4096xf32>
    %slice3A_458 = vector.extract_strided_slice %dot_general3A_453 {offsets = [4, 0], sizes = [1, 4096], strides = [1, 1]} : vector<8x4096xf32> to vector<1x4096xf32>
    %lt3A_459 = arith.constant 5.000000e-01 : f32
    %lt3A_460 = vector.broadcast %lt3A_459 : f32 to vector<1x4096xf32>
    %lt3A_461 = arith.cmpf olt, %select_n3A_446, %lt3A_460 : vector<1x4096xf32>
    %convert_element_type3A_462 = arith.fptosi %slice3A_458 : vector<1x4096xf32> to vector<1x4096xi32>
    %jit3A_463 = arith.constant 0 : i32
    %broadcast_in_dim3A_464 = vector.broadcast %jit3A_463 : i32 to vector<1x4096xi32>
    %select_n3A_465 = arith.select %lt3A_461, %broadcast_in_dim3A_464, %convert_element_type3A_462 : vector<1x4096xi1>, vector<1x4096xi32>
    %gt3A_466 = arith.constant 0 : i32
    %gt3A_467 = vector.broadcast %gt3A_466 : i32 to vector<1x4096xi32>
    %gt3A_468 = arith.cmpi sgt, %select_n3A_465, %gt3A_467 : vector<1x4096xi32>
    %get3A_469 = arith.constant 0 : index
    %get3A_470 = arith.constant 4096 : index
    %get3A_471 = vector.load %arg4[%get3A_469, %get3A_470] : memref<8x16384xf32, #tpu.memory_space<vmem>>, vector<8x4096xf32>
    %add3A_472 = arith.addf %slice3A_454, %slice3A_456 : vector<1x4096xf32>
    %mul3A_473 = arith.constant 5.000000e-01 : f32
    %mul3A_474 = vector.broadcast %mul3A_473 : f32 to vector<1x4096xf32>
    %mul3A_475 = arith.mulf %add3A_472, %mul3A_474 : vector<1x4096xf32>
    %slice3A_476 = vector.extract_strided_slice %get3A_471 {offsets = [0, 0], sizes = [1, 4096], strides = [1, 1]} : vector<8x4096xf32> to vector<1x4096xf32>
    %sub3A_477 = arith.subf %mul3A_475, %slice3A_476 : vector<1x4096xf32>
    %slice3A_478 = vector.extract_strided_slice %get3A_471 {offsets = [2, 0], sizes = [1, 4096], strides = [1, 1]} : vector<8x4096xf32> to vector<1x4096xf32>
    %mul3A_479 = arith.mulf %sub3A_477, %slice3A_478 : vector<1x4096xf32>
    %add3A_480 = arith.addf %slice3A_455, %slice3A_457 : vector<1x4096xf32>
    %mul3A_481 = arith.constant 5.000000e-01 : f32
    %mul3A_482 = vector.broadcast %mul3A_481 : f32 to vector<1x4096xf32>
    %mul3A_483 = arith.mulf %add3A_480, %mul3A_482 : vector<1x4096xf32>
    %slice3A_484 = vector.extract_strided_slice %get3A_471 {offsets = [1, 0], sizes = [1, 4096], strides = [1, 1]} : vector<8x4096xf32> to vector<1x4096xf32>
    %sub3A_485 = arith.subf %mul3A_483, %slice3A_484 : vector<1x4096xf32>
    %slice3A_486 = vector.extract_strided_slice %get3A_471 {offsets = [3, 0], sizes = [1, 4096], strides = [1, 1]} : vector<8x4096xf32> to vector<1x4096xf32>
    %mul3A_487 = arith.mulf %sub3A_485, %slice3A_486 : vector<1x4096xf32>
    %sub3A_488 = arith.subf %slice3A_456, %slice3A_454 : vector<1x4096xf32>
    %slice3A_489 = vector.extract_strided_slice %get3A_471 {offsets = [4, 0], sizes = [1, 4096], strides = [1, 1]} : vector<8x4096xf32> to vector<1x4096xf32>
    %mul3A_490 = arith.mulf %sub3A_488, %slice3A_489 : vector<1x4096xf32>
    %max3A_491 = arith.constant 1.000000e-30 : f32
    %max3A_492 = vector.broadcast %max3A_491 : f32 to vector<1x4096xf32>
    %max3A_493 = arith.maximumf %mul3A_490, %max3A_492 : vector<1x4096xf32>
    %log3A_494 = math.log %max3A_493 : vector<1x4096xf32>
    %mul3A_495 = arith.constant 5.000000e+00 : f32
    %mul3A_496 = vector.broadcast %mul3A_495 : f32 to vector<1x4096xf32>
    %mul3A_497 = arith.mulf %log3A_494, %mul3A_496 : vector<1x4096xf32>
    %sub3A_498 = arith.subf %slice3A_457, %slice3A_455 : vector<1x4096xf32>
    %slice3A_499 = vector.extract_strided_slice %get3A_471 {offsets = [5, 0], sizes = [1, 4096], strides = [1, 1]} : vector<8x4096xf32> to vector<1x4096xf32>
    %mul3A_500 = arith.mulf %sub3A_498, %slice3A_499 : vector<1x4096xf32>
    %max3A_501 = arith.constant 1.000000e-30 : f32
    %max3A_502 = vector.broadcast %max3A_501 : f32 to vector<1x4096xf32>
    %max3A_503 = arith.maximumf %mul3A_500, %max3A_502 : vector<1x4096xf32>
    %log3A_504 = math.log %max3A_503 : vector<1x4096xf32>
    %mul3A_505 = arith.constant 5.000000e+00 : f32
    %mul3A_506 = vector.broadcast %mul3A_505 : f32 to vector<1x4096xf32>
    %mul3A_507 = arith.mulf %log3A_504, %mul3A_506 : vector<1x4096xf32>
    %get3A_508 = arith.constant 0 : index
    %get3A_509 = arith.constant 0 : index
    %get3A_510 = arith.constant 4096 : index
    %get3A_511 = vector.load %arg5[%get3A_508, %get3A_509, %get3A_510] : memref<1x8x16384xf32, #tpu.memory_space<vmem>>, vector<1x8x4096xf32>
    %get3A_512 = vector.shape_cast %get3A_511 : vector<1x8x4096xf32> to vector<8x4096xf32>
    %slice3A_513 = vector.extract_strided_slice %get3A_512 {offsets = [0, 0], sizes = [1, 4096], strides = [1, 1]} : vector<8x4096xf32> to vector<1x4096xf32>
    %sub3A_514 = arith.subf %slice3A_513, %mul3A_479 : vector<1x4096xf32>
    %abs3A_515 = math.absf %sub3A_514 : vector<1x4096xf32>
    %lt3A_516 = arith.constant 1.000000e+00 : f32
    %lt3A_517 = vector.broadcast %lt3A_516 : f32 to vector<1x4096xf32>
    %lt3A_518 = arith.cmpf olt, %abs3A_515, %lt3A_517 : vector<1x4096xf32>
    %mul3A_519 = arith.constant 5.000000e-01 : f32
    %mul3A_520 = vector.broadcast %mul3A_519 : f32 to vector<1x4096xf32>
    %mul3A_521 = arith.mulf %mul3A_520, %sub3A_514 : vector<1x4096xf32>
    %mul3A_522 = arith.mulf %mul3A_521, %sub3A_514 : vector<1x4096xf32>
    %sub3A_523 = arith.constant 5.000000e-01 : f32
    %sub3A_524 = vector.broadcast %sub3A_523 : f32 to vector<1x4096xf32>
    %sub3A_525 = arith.subf %abs3A_515, %sub3A_524 : vector<1x4096xf32>
    %select_n3A_526 = arith.select %lt3A_518, %mul3A_522, %sub3A_525 : vector<1x4096xi1>, vector<1x4096xf32>
    %slice3A_527 = vector.extract_strided_slice %get3A_512 {offsets = [1, 0], sizes = [1, 4096], strides = [1, 1]} : vector<8x4096xf32> to vector<1x4096xf32>
    %sub3A_528 = arith.subf %slice3A_527, %mul3A_487 : vector<1x4096xf32>
    %abs3A_529 = math.absf %sub3A_528 : vector<1x4096xf32>
    %lt3A_530 = arith.constant 1.000000e+00 : f32
    %lt3A_531 = vector.broadcast %lt3A_530 : f32 to vector<1x4096xf32>
    %lt3A_532 = arith.cmpf olt, %abs3A_529, %lt3A_531 : vector<1x4096xf32>
    %mul3A_533 = arith.constant 5.000000e-01 : f32
    %mul3A_534 = vector.broadcast %mul3A_533 : f32 to vector<1x4096xf32>
    %mul3A_535 = arith.mulf %mul3A_534, %sub3A_528 : vector<1x4096xf32>
    %mul3A_536 = arith.mulf %mul3A_535, %sub3A_528 : vector<1x4096xf32>
    %sub3A_537 = arith.constant 5.000000e-01 : f32
    %sub3A_538 = vector.broadcast %sub3A_537 : f32 to vector<1x4096xf32>
    %sub3A_539 = arith.subf %abs3A_529, %sub3A_538 : vector<1x4096xf32>
    %select_n3A_540 = arith.select %lt3A_532, %mul3A_536, %sub3A_539 : vector<1x4096xi1>, vector<1x4096xf32>
    %add3A_541 = arith.addf %select_n3A_526, %select_n3A_540 : vector<1x4096xf32>
    %slice3A_542 = vector.extract_strided_slice %get3A_512 {offsets = [2, 0], sizes = [1, 4096], strides = [1, 1]} : vector<8x4096xf32> to vector<1x4096xf32>
    %sub3A_543 = arith.subf %slice3A_542, %mul3A_497 : vector<1x4096xf32>
    %abs3A_544 = math.absf %sub3A_543 : vector<1x4096xf32>
    %lt3A_545 = arith.constant 1.000000e+00 : f32
    %lt3A_546 = vector.broadcast %lt3A_545 : f32 to vector<1x4096xf32>
    %lt3A_547 = arith.cmpf olt, %abs3A_544, %lt3A_546 : vector<1x4096xf32>
    %mul3A_548 = arith.constant 5.000000e-01 : f32
    %mul3A_549 = vector.broadcast %mul3A_548 : f32 to vector<1x4096xf32>
    %mul3A_550 = arith.mulf %mul3A_549, %sub3A_543 : vector<1x4096xf32>
    %mul3A_551 = arith.mulf %mul3A_550, %sub3A_543 : vector<1x4096xf32>
    %sub3A_552 = arith.constant 5.000000e-01 : f32
    %sub3A_553 = vector.broadcast %sub3A_552 : f32 to vector<1x4096xf32>
    %sub3A_554 = arith.subf %abs3A_544, %sub3A_553 : vector<1x4096xf32>
    %select_n3A_555 = arith.select %lt3A_547, %mul3A_551, %sub3A_554 : vector<1x4096xi1>, vector<1x4096xf32>
    %add3A_556 = arith.addf %add3A_541, %select_n3A_555 : vector<1x4096xf32>
    %slice3A_557 = vector.extract_strided_slice %get3A_512 {offsets = [3, 0], sizes = [1, 4096], strides = [1, 1]} : vector<8x4096xf32> to vector<1x4096xf32>
    %sub3A_558 = arith.subf %slice3A_557, %mul3A_507 : vector<1x4096xf32>
    %abs3A_559 = math.absf %sub3A_558 : vector<1x4096xf32>
    %lt3A_560 = arith.constant 1.000000e+00 : f32
    %lt3A_561 = vector.broadcast %lt3A_560 : f32 to vector<1x4096xf32>
    %lt3A_562 = arith.cmpf olt, %abs3A_559, %lt3A_561 : vector<1x4096xf32>
    %mul3A_563 = arith.constant 5.000000e-01 : f32
    %mul3A_564 = vector.broadcast %mul3A_563 : f32 to vector<1x4096xf32>
    %mul3A_565 = arith.mulf %mul3A_564, %sub3A_558 : vector<1x4096xf32>
    %mul3A_566 = arith.mulf %mul3A_565, %sub3A_558 : vector<1x4096xf32>
    %sub3A_567 = arith.constant 5.000000e-01 : f32
    %sub3A_568 = vector.broadcast %sub3A_567 : f32 to vector<1x4096xf32>
    %sub3A_569 = arith.subf %abs3A_559, %sub3A_568 : vector<1x4096xf32>
    %select_n3A_570 = arith.select %lt3A_562, %mul3A_566, %sub3A_569 : vector<1x4096xi1>, vector<1x4096xf32>
    %add3A_571 = arith.addf %add3A_556, %select_n3A_570 : vector<1x4096xf32>
    %jit3A_572 = arith.constant 0.000000e+00 : f32
    %broadcast_in_dim3A_573 = vector.broadcast %jit3A_572 : f32 to vector<1x4096xf32>
    %select_n3A_574 = arith.select %gt3A_468, %add3A_571, %broadcast_in_dim3A_573 : vector<1x4096xi1>, vector<1x4096xf32>
    %reduce_sum3A_575 = vector.shape_cast %select_n3A_574 : vector<1x4096xf32> to vector<1x1x4096xf32>
    %reduce_sum3A_576 = arith.constant dense<0.000000e+00> : vector<1xf32>
    %reduce_sum3A_577 = vector.multi_reduction <add>, %reduce_sum3A_575, %reduce_sum3A_576 [1, 2] : vector<1x1x4096xf32> to vector<1xf32>
    %reduce_sum3A_578 = vector.shape_cast %reduce_sum3A_577 : vector<1xf32> to vector<1x1x1xf32>
    %reduce_sum3A_579 = vector.extract %reduce_sum3A_578[0, 0, 0] : f32 from vector<1x1x1xf32>
    %add3A_580 = arith.addf %add3A_375, %reduce_sum3A_579 : f32
    %convert_element_type3A_581 = arith.extui %gt3A_468 : vector<1x4096xi1> to vector<1x4096xi32>
    %convert_element_type3A_582 = arith.sitofp %convert_element_type3A_581 : vector<1x4096xi32> to vector<1x4096xf32>
    %reduce_sum3A_583 = vector.shape_cast %convert_element_type3A_582 : vector<1x4096xf32> to vector<1x1x4096xf32>
    %reduce_sum3A_584 = arith.constant dense<0.000000e+00> : vector<1xf32>
    %reduce_sum3A_585 = vector.multi_reduction <add>, %reduce_sum3A_583, %reduce_sum3A_584 [1, 2] : vector<1x1x4096xf32> to vector<1xf32>
    %reduce_sum3A_586 = vector.shape_cast %reduce_sum3A_585 : vector<1xf32> to vector<1x1x1xf32>
    %reduce_sum3A_587 = vector.extract %reduce_sum3A_586[0, 0, 0] : f32 from vector<1x1x1xf32>
    %add3A_588 = arith.addf %add3A_384, %reduce_sum3A_587 : f32
    %get3A_589 = arith.constant 0 : index
    %get3A_590 = arith.constant 0 : index
    %get3A_591 = arith.constant 4096 : index
    %get3A_592 = vector.load %arg6[%get3A_589, %get3A_590, %get3A_591] : memref<1x24x16384xf32, #tpu.memory_space<vmem>>, vector<1x24x4096xf32>
    %get3A_593 = vector.shape_cast %get3A_592 : vector<1x24x4096xf32> to vector<24x4096xf32>
    %exp3A_594 = math.exp %get3A_593 : vector<24x4096xf32>
    %reduce_sum3A_595 = arith.constant dense<0.000000e+00> : vector<4096xf32>
    %reduce_sum3A_596 = vector.multi_reduction <add>, %exp3A_594, %reduce_sum3A_595 [0] : vector<24x4096xf32> to vector<4096xf32>
    %broadcast_in_dim3A_597 = vector.shape_cast %reduce_sum3A_596 : vector<4096xf32> to vector<1x4096xf32>
    %log3A_598 = math.log %broadcast_in_dim3A_597 : vector<1x4096xf32>
    %iota3A_599 = tpu.iota {dimensions = array<i32: 0>} : vector<24x4096xi32>
    %eq3A_600 = vector.broadcast %select_n3A_465 : vector<1x4096xi32> to vector<24x4096xi32>
    %eq3A_601 = arith.cmpi eq, %iota3A_599, %eq3A_600 : vector<24x4096xi32>
    %jit3A_602 = arith.constant 0.000000e+00 : f32
    %broadcast_in_dim3A_603 = vector.broadcast %jit3A_602 : f32 to vector<24x4096xf32>
    %select_n3A_604 = arith.select %eq3A_601, %get3A_593, %broadcast_in_dim3A_603 : vector<24x4096xi1>, vector<24x4096xf32>
    %reduce_sum3A_605 = arith.constant dense<0.000000e+00> : vector<4096xf32>
    %reduce_sum3A_606 = vector.multi_reduction <add>, %select_n3A_604, %reduce_sum3A_605 [0] : vector<24x4096xf32> to vector<4096xf32>
    %broadcast_in_dim3A_607 = vector.shape_cast %reduce_sum3A_606 : vector<4096xf32> to vector<1x4096xf32>
    %sub3A_608 = arith.subf %log3A_598, %broadcast_in_dim3A_607 : vector<1x4096xf32>
    %jit3A_609 = arith.constant 0.000000e+00 : f32
    %broadcast_in_dim3A_610 = vector.broadcast %jit3A_609 : f32 to vector<1x4096xf32>
    %select_n3A_611 = arith.select %gt3A_468, %sub3A_608, %broadcast_in_dim3A_610 : vector<1x4096xi1>, vector<1x4096xf32>
    %reduce_sum3A_612 = vector.shape_cast %select_n3A_611 : vector<1x4096xf32> to vector<1x1x4096xf32>
    %reduce_sum3A_613 = arith.constant dense<0.000000e+00> : vector<1xf32>
    %reduce_sum3A_614 = vector.multi_reduction <add>, %reduce_sum3A_612, %reduce_sum3A_613 [1, 2] : vector<1x1x4096xf32> to vector<1xf32>
    %reduce_sum3A_615 = vector.shape_cast %reduce_sum3A_614 : vector<1xf32> to vector<1x1x1xf32>
    %reduce_sum3A_616 = vector.extract %reduce_sum3A_615[0, 0, 0] : f32 from vector<1x1x1xf32>
    %add3A_617 = arith.addf %add3A_413, %reduce_sum3A_616 : f32
    %slice3A_618 = vector.extract_strided_slice %add3A_429 {offsets = [0, 0], sizes = [1, 4096], strides = [1, 1]} : vector<56x4096xi32> to vector<1x4096xi32>
    %ge3A_619 = arith.constant 16320 : i32
    %ge3A_620 = vector.broadcast %ge3A_619 : i32 to vector<1x4096xi32>
    %ge3A_621 = arith.cmpi sge, %slice3A_618, %ge3A_620 : vector<1x4096xi32>
    %or3A_622 = arith.ori %gt3A_468, %ge3A_621 : vector<1x4096xi1>
    %jit3A_623 = arith.constant 0.000000e+00 : f32
    %broadcast_in_dim3A_624 = vector.broadcast %jit3A_623 : f32 to vector<1x4096xf32>
    %select_n3A_625 = arith.select %or3A_622, %broadcast_in_dim3A_624, %sub3A_608 : vector<1x4096xi1>, vector<1x4096xf32>
    %swap3A_626 = arith.constant 0 : index
    %swap3A_627 = arith.constant 0 : index
    %swap3A_628 = arith.constant 4096 : index
    %swap3A_629 = vector.load %arg7[%swap3A_626, %swap3A_627, %swap3A_628] : memref<1x1x16384xf32, #tpu.memory_space<vmem>>, vector<1x1x4096xf32>
    %swap3A_630 = vector.shape_cast %swap3A_629 : vector<1x1x4096xf32> to vector<1x4096xf32>
    %swap3A_631 = vector.shape_cast %select_n3A_625 : vector<1x4096xf32> to vector<1x1x4096xf32>
    tpu.vector_store %arg7[%swap3A_626, %swap3A_627, %swap3A_628], %swap3A_631 {strides = array<i32>} : memref<1x1x16384xf32, #tpu.memory_space<vmem>>, vector<1x1x4096xf32>,
    %iota3A_632 = tpu.iota {dimensions = array<i32: 1>} : vector<56x4096xi32>
    %add3A_633 = arith.constant 8192 : i32
    %add3A_634 = vector.broadcast %add3A_633 : i32 to vector<56x4096xi32>
    %add3A_635 = arith.addi %iota3A_632, %add3A_634 : vector<56x4096xi32>
    %iota3A_636 = tpu.iota {dimensions = array<i32: 0>} : vector<56x4096xi32>
    %eq3A_637 = vector.broadcast %select_n3A_229 : vector<56x1xi32> to vector<56x4096xi32>
    %eq3A_638 = arith.cmpi eq, %eq3A_637, %add3A_635 : vector<56x4096xi32>
    %and3A_639 = vector.broadcast %gt3A_14 : vector<56x1xi1> to vector<56x4096xi1>
    %and3A_640 = arith.andi %eq3A_638, %and3A_639 : vector<56x4096xi1>
    %jit3A_641 = arith.constant -1 : i32
    %broadcast_in_dim3A_642 = vector.broadcast %jit3A_641 : i32 to vector<56x4096xi32>
    %select_n3A_643 = arith.select %and3A_640, %iota3A_636, %broadcast_in_dim3A_642 : vector<56x4096xi1>, vector<56x4096xi32>
    %reduce_max3A_644 = arith.constant dense<-2147483648> : vector<4096xi32>
    %reduce_max3A_645 = vector.multi_reduction <maxsi>, %select_n3A_643, %reduce_max3A_644 [0] : vector<56x4096xi32> to vector<4096xi32>
    %broadcast_in_dim3A_646 = vector.shape_cast %reduce_max3A_645 : vector<4096xi32> to vector<1x4096xi32>
    %ge3A_647 = arith.constant 0 : i32
    %ge3A_648 = vector.broadcast %ge3A_647 : i32 to vector<1x4096xi32>
    %ge3A_649 = arith.cmpi sge, %broadcast_in_dim3A_646, %ge3A_648 : vector<1x4096xi32>
    %jit3A_650 = arith.constant 2.000000e+00 : f32
    %broadcast_in_dim3A_651 = vector.broadcast %jit3A_650 : f32 to vector<1x4096xf32>
    %select_n3A_652 = arith.select %ge3A_649, %broadcast_in_dim3A_651, %broadcast_in_dim3A_162 : vector<1x4096xi1>, vector<1x4096xf32>
    %select_n3A_653 = arith.select %ge3A_649, %broadcast_in_dim3A_646, %broadcast_in_dim3A_164 : vector<1x4096xi1>, vector<1x4096xi32>
    %eq3A_654 = vector.broadcast %select_n3A_653 : vector<1x4096xi32> to vector<56x4096xi32>
    %eq3A_655 = arith.cmpi eq, %iota3A_636, %eq3A_654 : vector<56x4096xi32>
    %convert_element_type3A_656 = arith.extui %eq3A_655 : vector<56x4096xi1> to vector<56x4096xi32>
    %convert_element_type3A_657 = arith.sitofp %convert_element_type3A_656 : vector<56x4096xi32> to vector<56x4096xf32>
    %dot_general3A_658 = arith.constant dense<0.000000e+00> : vector<8x4096xf32>
    %dot_general3A_659 = tpu.matmul %get3A_3, %convert_element_type3A_657, %dot_general3A_658 {dimension_numbers = #tpu.dot_dimension_numbers<[1], [0], [0], [1], [0, 0, 1, 1], [], []>, transpose_lhs_hint = false} : vector<8x56xf32>, vector<56x4096xf32>, vector<8x4096xf32> -> vector<8x4096xf32>
    %slice3A_660 = vector.extract_strided_slice %dot_general3A_659 {offsets = [0, 0], sizes = [1, 4096], strides = [1, 1]} : vector<8x4096xf32> to vector<1x4096xf32>
    %slice3A_661 = vector.extract_strided_slice %dot_general3A_659 {offsets = [1, 0], sizes = [1, 4096], strides = [1, 1]} : vector<8x4096xf32> to vector<1x4096xf32>
    %slice3A_662 = vector.extract_strided_slice %dot_general3A_659 {offsets = [2, 0], sizes = [1, 4096], strides = [1, 1]} : vector<8x4096xf32> to vector<1x4096xf32>
    %slice3A_663 = vector.extract_strided_slice %dot_general3A_659 {offsets = [3, 0], sizes = [1, 4096], strides = [1, 1]} : vector<8x4096xf32> to vector<1x4096xf32>
    %slice3A_664 = vector.extract_strided_slice %dot_general3A_659 {offsets = [4, 0], sizes = [1, 4096], strides = [1, 1]} : vector<8x4096xf32> to vector<1x4096xf32>
    %lt3A_665 = arith.constant 5.000000e-01 : f32
    %lt3A_666 = vector.broadcast %lt3A_665 : f32 to vector<1x4096xf32>
    %lt3A_667 = arith.cmpf olt, %select_n3A_652, %lt3A_666 : vector<1x4096xf32>
    %convert_element_type3A_668 = arith.fptosi %slice3A_664 : vector<1x4096xf32> to vector<1x4096xi32>
    %jit3A_669 = arith.constant 0 : i32
    %broadcast_in_dim3A_670 = vector.broadcast %jit3A_669 : i32 to vector<1x4096xi32>
    %select_n3A_671 = arith.select %lt3A_667, %broadcast_in_dim3A_670, %convert_element_type3A_668 : vector<1x4096xi1>, vector<1x4096xi32>
    %gt3A_672 = arith.constant 0 : i32
    %gt3A_673 = vector.broadcast %gt3A_672 : i32 to vector<1x4096xi32>
    %gt3A_674 = arith.cmpi sgt, %select_n3A_671, %gt3A_673 : vector<1x4096xi32>
    %get3A_675 = arith.constant 0 : index
    %get3A_676 = arith.constant 8192 : index
    %get3A_677 = vector.load %arg4[%get3A_675, %get3A_676] : memref<8x16384xf32, #tpu.memory_space<vmem>>, vector<8x4096xf32>
    %add3A_678 = arith.addf %slice3A_660, %slice3A_662 : vector<1x4096xf32>
    %mul3A_679 = arith.constant 5.000000e-01 : f32
    %mul3A_680 = vector.broadcast %mul3A_679 : f32 to vector<1x4096xf32>
    %mul3A_681 = arith.mulf %add3A_678, %mul3A_680 : vector<1x4096xf32>
    %slice3A_682 = vector.extract_strided_slice %get3A_677 {offsets = [0, 0], sizes = [1, 4096], strides = [1, 1]} : vector<8x4096xf32> to vector<1x4096xf32>
    %sub3A_683 = arith.subf %mul3A_681, %slice3A_682 : vector<1x4096xf32>
    %slice3A_684 = vector.extract_strided_slice %get3A_677 {offsets = [2, 0], sizes = [1, 4096], strides = [1, 1]} : vector<8x4096xf32> to vector<1x4096xf32>
    %mul3A_685 = arith.mulf %sub3A_683, %slice3A_684 : vector<1x4096xf32>
    %add3A_686 = arith.addf %slice3A_661, %slice3A_663 : vector<1x4096xf32>
    %mul3A_687 = arith.constant 5.000000e-01 : f32
    %mul3A_688 = vector.broadcast %mul3A_687 : f32 to vector<1x4096xf32>
    %mul3A_689 = arith.mulf %add3A_686, %mul3A_688 : vector<1x4096xf32>
    %slice3A_690 = vector.extract_strided_slice %get3A_677 {offsets = [1, 0], sizes = [1, 4096], strides = [1, 1]} : vector<8x4096xf32> to vector<1x4096xf32>
    %sub3A_691 = arith.subf %mul3A_689, %slice3A_690 : vector<1x4096xf32>
    %slice3A_692 = vector.extract_strided_slice %get3A_677 {offsets = [3, 0], sizes = [1, 4096], strides = [1, 1]} : vector<8x4096xf32> to vector<1x4096xf32>
    %mul3A_693 = arith.mulf %sub3A_691, %slice3A_692 : vector<1x4096xf32>
    %sub3A_694 = arith.subf %slice3A_662, %slice3A_660 : vector<1x4096xf32>
    %slice3A_695 = vector.extract_strided_slice %get3A_677 {offsets = [4, 0], sizes = [1, 4096], strides = [1, 1]} : vector<8x4096xf32> to vector<1x4096xf32>
    %mul3A_696 = arith.mulf %sub3A_694, %slice3A_695 : vector<1x4096xf32>
    %max3A_697 = arith.constant 1.000000e-30 : f32
    %max3A_698 = vector.broadcast %max3A_697 : f32 to vector<1x4096xf32>
    %max3A_699 = arith.maximumf %mul3A_696, %max3A_698 : vector<1x4096xf32>
    %log3A_700 = math.log %max3A_699 : vector<1x4096xf32>
    %mul3A_701 = arith.constant 5.000000e+00 : f32
    %mul3A_702 = vector.broadcast %mul3A_701 : f32 to vector<1x4096xf32>
    %mul3A_703 = arith.mulf %log3A_700, %mul3A_702 : vector<1x4096xf32>
    %sub3A_704 = arith.subf %slice3A_663, %slice3A_661 : vector<1x4096xf32>
    %slice3A_705 = vector.extract_strided_slice %get3A_677 {offsets = [5, 0], sizes = [1, 4096], strides = [1, 1]} : vector<8x4096xf32> to vector<1x4096xf32>
    %mul3A_706 = arith.mulf %sub3A_704, %slice3A_705 : vector<1x4096xf32>
    %max3A_707 = arith.constant 1.000000e-30 : f32
    %max3A_708 = vector.broadcast %max3A_707 : f32 to vector<1x4096xf32>
    %max3A_709 = arith.maximumf %mul3A_706, %max3A_708 : vector<1x4096xf32>
    %log3A_710 = math.log %max3A_709 : vector<1x4096xf32>
    %mul3A_711 = arith.constant 5.000000e+00 : f32
    %mul3A_712 = vector.broadcast %mul3A_711 : f32 to vector<1x4096xf32>
    %mul3A_713 = arith.mulf %log3A_710, %mul3A_712 : vector<1x4096xf32>
    %get3A_714 = arith.constant 0 : index
    %get3A_715 = arith.constant 0 : index
    %get3A_716 = arith.constant 8192 : index
    %get3A_717 = vector.load %arg5[%get3A_714, %get3A_715, %get3A_716] : memref<1x8x16384xf32, #tpu.memory_space<vmem>>, vector<1x8x4096xf32>
    %get3A_718 = vector.shape_cast %get3A_717 : vector<1x8x4096xf32> to vector<8x4096xf32>
    %slice3A_719 = vector.extract_strided_slice %get3A_718 {offsets = [0, 0], sizes = [1, 4096], strides = [1, 1]} : vector<8x4096xf32> to vector<1x4096xf32>
    %sub3A_720 = arith.subf %slice3A_719, %mul3A_685 : vector<1x4096xf32>
    %abs3A_721 = math.absf %sub3A_720 : vector<1x4096xf32>
    %lt3A_722 = arith.constant 1.000000e+00 : f32
    %lt3A_723 = vector.broadcast %lt3A_722 : f32 to vector<1x4096xf32>
    %lt3A_724 = arith.cmpf olt, %abs3A_721, %lt3A_723 : vector<1x4096xf32>
    %mul3A_725 = arith.constant 5.000000e-01 : f32
    %mul3A_726 = vector.broadcast %mul3A_725 : f32 to vector<1x4096xf32>
    %mul3A_727 = arith.mulf %mul3A_726, %sub3A_720 : vector<1x4096xf32>
    %mul3A_728 = arith.mulf %mul3A_727, %sub3A_720 : vector<1x4096xf32>
    %sub3A_729 = arith.constant 5.000000e-01 : f32
    %sub3A_730 = vector.broadcast %sub3A_729 : f32 to vector<1x4096xf32>
    %sub3A_731 = arith.subf %abs3A_721, %sub3A_730 : vector<1x4096xf32>
    %select_n3A_732 = arith.select %lt3A_724, %mul3A_728, %sub3A_731 : vector<1x4096xi1>, vector<1x4096xf32>
    %slice3A_733 = vector.extract_strided_slice %get3A_718 {offsets = [1, 0], sizes = [1, 4096], strides = [1, 1]} : vector<8x4096xf32> to vector<1x4096xf32>
    %sub3A_734 = arith.subf %slice3A_733, %mul3A_693 : vector<1x4096xf32>
    %abs3A_735 = math.absf %sub3A_734 : vector<1x4096xf32>
    %lt3A_736 = arith.constant 1.000000e+00 : f32
    %lt3A_737 = vector.broadcast %lt3A_736 : f32 to vector<1x4096xf32>
    %lt3A_738 = arith.cmpf olt, %abs3A_735, %lt3A_737 : vector<1x4096xf32>
    %mul3A_739 = arith.constant 5.000000e-01 : f32
    %mul3A_740 = vector.broadcast %mul3A_739 : f32 to vector<1x4096xf32>
    %mul3A_741 = arith.mulf %mul3A_740, %sub3A_734 : vector<1x4096xf32>
    %mul3A_742 = arith.mulf %mul3A_741, %sub3A_734 : vector<1x4096xf32>
    %sub3A_743 = arith.constant 5.000000e-01 : f32
    %sub3A_744 = vector.broadcast %sub3A_743 : f32 to vector<1x4096xf32>
    %sub3A_745 = arith.subf %abs3A_735, %sub3A_744 : vector<1x4096xf32>
    %select_n3A_746 = arith.select %lt3A_738, %mul3A_742, %sub3A_745 : vector<1x4096xi1>, vector<1x4096xf32>
    %add3A_747 = arith.addf %select_n3A_732, %select_n3A_746 : vector<1x4096xf32>
    %slice3A_748 = vector.extract_strided_slice %get3A_718 {offsets = [2, 0], sizes = [1, 4096], strides = [1, 1]} : vector<8x4096xf32> to vector<1x4096xf32>
    %sub3A_749 = arith.subf %slice3A_748, %mul3A_703 : vector<1x4096xf32>
    %abs3A_750 = math.absf %sub3A_749 : vector<1x4096xf32>
    %lt3A_751 = arith.constant 1.000000e+00 : f32
    %lt3A_752 = vector.broadcast %lt3A_751 : f32 to vector<1x4096xf32>
    %lt3A_753 = arith.cmpf olt, %abs3A_750, %lt3A_752 : vector<1x4096xf32>
    %mul3A_754 = arith.constant 5.000000e-01 : f32
    %mul3A_755 = vector.broadcast %mul3A_754 : f32 to vector<1x4096xf32>
    %mul3A_756 = arith.mulf %mul3A_755, %sub3A_749 : vector<1x4096xf32>
    %mul3A_757 = arith.mulf %mul3A_756, %sub3A_749 : vector<1x4096xf32>
    %sub3A_758 = arith.constant 5.000000e-01 : f32
    %sub3A_759 = vector.broadcast %sub3A_758 : f32 to vector<1x4096xf32>
    %sub3A_760 = arith.subf %abs3A_750, %sub3A_759 : vector<1x4096xf32>
    %select_n3A_761 = arith.select %lt3A_753, %mul3A_757, %sub3A_760 : vector<1x4096xi1>, vector<1x4096xf32>
    %add3A_762 = arith.addf %add3A_747, %select_n3A_761 : vector<1x4096xf32>
    %slice3A_763 = vector.extract_strided_slice %get3A_718 {offsets = [3, 0], sizes = [1, 4096], strides = [1, 1]} : vector<8x4096xf32> to vector<1x4096xf32>
    %sub3A_764 = arith.subf %slice3A_763, %mul3A_713 : vector<1x4096xf32>
    %abs3A_765 = math.absf %sub3A_764 : vector<1x4096xf32>
    %lt3A_766 = arith.constant 1.000000e+00 : f32
    %lt3A_767 = vector.broadcast %lt3A_766 : f32 to vector<1x4096xf32>
    %lt3A_768 = arith.cmpf olt, %abs3A_765, %lt3A_767 : vector<1x4096xf32>
    %mul3A_769 = arith.constant 5.000000e-01 : f32
    %mul3A_770 = vector.broadcast %mul3A_769 : f32 to vector<1x4096xf32>
    %mul3A_771 = arith.mulf %mul3A_770, %sub3A_764 : vector<1x4096xf32>
    %mul3A_772 = arith.mulf %mul3A_771, %sub3A_764 : vector<1x4096xf32>
    %sub3A_773 = arith.constant 5.000000e-01 : f32
    %sub3A_774 = vector.broadcast %sub3A_773 : f32 to vector<1x4096xf32>
    %sub3A_775 = arith.subf %abs3A_765, %sub3A_774 : vector<1x4096xf32>
    %select_n3A_776 = arith.select %lt3A_768, %mul3A_772, %sub3A_775 : vector<1x4096xi1>, vector<1x4096xf32>
    %add3A_777 = arith.addf %add3A_762, %select_n3A_776 : vector<1x4096xf32>
    %jit3A_778 = arith.constant 0.000000e+00 : f32
    %broadcast_in_dim3A_779 = vector.broadcast %jit3A_778 : f32 to vector<1x4096xf32>
    %select_n3A_780 = arith.select %gt3A_674, %add3A_777, %broadcast_in_dim3A_779 : vector<1x4096xi1>, vector<1x4096xf32>
    %reduce_sum3A_781 = vector.shape_cast %select_n3A_780 : vector<1x4096xf32> to vector<1x1x4096xf32>
    %reduce_sum3A_782 = arith.constant dense<0.000000e+00> : vector<1xf32>
    %reduce_sum3A_783 = vector.multi_reduction <add>, %reduce_sum3A_781, %reduce_sum3A_782 [1, 2] : vector<1x1x4096xf32> to vector<1xf32>
    %reduce_sum3A_784 = vector.shape_cast %reduce_sum3A_783 : vector<1xf32> to vector<1x1x1xf32>
    %reduce_sum3A_785 = vector.extract %reduce_sum3A_784[0, 0, 0] : f32 from vector<1x1x1xf32>
    %add3A_786 = arith.addf %add3A_580, %reduce_sum3A_785 : f32
    %convert_element_type3A_787 = arith.extui %gt3A_674 : vector<1x4096xi1> to vector<1x4096xi32>
    %convert_element_type3A_788 = arith.sitofp %convert_element_type3A_787 : vector<1x4096xi32> to vector<1x4096xf32>
    %reduce_sum3A_789 = vector.shape_cast %convert_element_type3A_788 : vector<1x4096xf32> to vector<1x1x4096xf32>
    %reduce_sum3A_790 = arith.constant dense<0.000000e+00> : vector<1xf32>
    %reduce_sum3A_791 = vector.multi_reduction <add>, %reduce_sum3A_789, %reduce_sum3A_790 [1, 2] : vector<1x1x4096xf32> to vector<1xf32>
    %reduce_sum3A_792 = vector.shape_cast %reduce_sum3A_791 : vector<1xf32> to vector<1x1x1xf32>
    %reduce_sum3A_793 = vector.extract %reduce_sum3A_792[0, 0, 0] : f32 from vector<1x1x1xf32>
    %add3A_794 = arith.addf %add3A_588, %reduce_sum3A_793 : f32
    %get3A_795 = arith.constant 0 : index
    %get3A_796 = arith.constant 0 : index
    %get3A_797 = arith.constant 8192 : index
    %get3A_798 = vector.load %arg6[%get3A_795, %get3A_796, %get3A_797] : memref<1x24x16384xf32, #tpu.memory_space<vmem>>, vector<1x24x4096xf32>
    %get3A_799 = vector.shape_cast %get3A_798 : vector<1x24x4096xf32> to vector<24x4096xf32>
    %exp3A_800 = math.exp %get3A_799 : vector<24x4096xf32>
    %reduce_sum3A_801 = arith.constant dense<0.000000e+00> : vector<4096xf32>
    %reduce_sum3A_802 = vector.multi_reduction <add>, %exp3A_800, %reduce_sum3A_801 [0] : vector<24x4096xf32> to vector<4096xf32>
    %broadcast_in_dim3A_803 = vector.shape_cast %reduce_sum3A_802 : vector<4096xf32> to vector<1x4096xf32>
    %log3A_804 = math.log %broadcast_in_dim3A_803 : vector<1x4096xf32>
    %iota3A_805 = tpu.iota {dimensions = array<i32: 0>} : vector<24x4096xi32>
    %eq3A_806 = vector.broadcast %select_n3A_671 : vector<1x4096xi32> to vector<24x4096xi32>
    %eq3A_807 = arith.cmpi eq, %iota3A_805, %eq3A_806 : vector<24x4096xi32>
    %jit3A_808 = arith.constant 0.000000e+00 : f32
    %broadcast_in_dim3A_809 = vector.broadcast %jit3A_808 : f32 to vector<24x4096xf32>
    %select_n3A_810 = arith.select %eq3A_807, %get3A_799, %broadcast_in_dim3A_809 : vector<24x4096xi1>, vector<24x4096xf32>
    %reduce_sum3A_811 = arith.constant dense<0.000000e+00> : vector<4096xf32>
    %reduce_sum3A_812 = vector.multi_reduction <add>, %select_n3A_810, %reduce_sum3A_811 [0] : vector<24x4096xf32> to vector<4096xf32>
    %broadcast_in_dim3A_813 = vector.shape_cast %reduce_sum3A_812 : vector<4096xf32> to vector<1x4096xf32>
    %sub3A_814 = arith.subf %log3A_804, %broadcast_in_dim3A_813 : vector<1x4096xf32>
    %jit3A_815 = arith.constant 0.000000e+00 : f32
    %broadcast_in_dim3A_816 = vector.broadcast %jit3A_815 : f32 to vector<1x4096xf32>
    %select_n3A_817 = arith.select %gt3A_674, %sub3A_814, %broadcast_in_dim3A_816 : vector<1x4096xi1>, vector<1x4096xf32>
    %reduce_sum3A_818 = vector.shape_cast %select_n3A_817 : vector<1x4096xf32> to vector<1x1x4096xf32>
    %reduce_sum3A_819 = arith.constant dense<0.000000e+00> : vector<1xf32>
    %reduce_sum3A_820 = vector.multi_reduction <add>, %reduce_sum3A_818, %reduce_sum3A_819 [1, 2] : vector<1x1x4096xf32> to vector<1xf32>
    %reduce_sum3A_821 = vector.shape_cast %reduce_sum3A_820 : vector<1xf32> to vector<1x1x1xf32>
    %reduce_sum3A_822 = vector.extract %reduce_sum3A_821[0, 0, 0] : f32 from vector<1x1x1xf32>
    %add3A_823 = arith.addf %add3A_617, %reduce_sum3A_822 : f32
    %slice3A_824 = vector.extract_strided_slice %add3A_635 {offsets = [0, 0], sizes = [1, 4096], strides = [1, 1]} : vector<56x4096xi32> to vector<1x4096xi32>
    %ge3A_825 = arith.constant 16320 : i32
    %ge3A_826 = vector.broadcast %ge3A_825 : i32 to vector<1x4096xi32>
    %ge3A_827 = arith.cmpi sge, %slice3A_824, %ge3A_826 : vector<1x4096xi32>
    %or3A_828 = arith.ori %gt3A_674, %ge3A_827 : vector<1x4096xi1>
    %jit3A_829 = arith.constant 0.000000e+00 : f32
    %broadcast_in_dim3A_830 = vector.broadcast %jit3A_829 : f32 to vector<1x4096xf32>
    %select_n3A_831 = arith.select %or3A_828, %broadcast_in_dim3A_830, %sub3A_814 : vector<1x4096xi1>, vector<1x4096xf32>
    %swap3A_832 = arith.constant 0 : index
    %swap3A_833 = arith.constant 0 : index
    %swap3A_834 = arith.constant 8192 : index
    %swap3A_835 = vector.load %arg7[%swap3A_832, %swap3A_833, %swap3A_834] : memref<1x1x16384xf32, #tpu.memory_space<vmem>>, vector<1x1x4096xf32>
    %swap3A_836 = vector.shape_cast %swap3A_835 : vector<1x1x4096xf32> to vector<1x4096xf32>
    %swap3A_837 = vector.shape_cast %select_n3A_831 : vector<1x4096xf32> to vector<1x1x4096xf32>
    tpu.vector_store %arg7[%swap3A_832, %swap3A_833, %swap3A_834], %swap3A_837 {strides = array<i32>} : memref<1x1x16384xf32, #tpu.memory_space<vmem>>, vector<1x1x4096xf32>,
    %iota3A_838 = tpu.iota {dimensions = array<i32: 1>} : vector<56x4096xi32>
    %add3A_839 = arith.constant 12288 : i32
    %add3A_840 = vector.broadcast %add3A_839 : i32 to vector<56x4096xi32>
    %add3A_841 = arith.addi %iota3A_838, %add3A_840 : vector<56x4096xi32>
    %iota3A_842 = tpu.iota {dimensions = array<i32: 0>} : vector<56x4096xi32>
    %eq3A_843 = vector.broadcast %select_n3A_229 : vector<56x1xi32> to vector<56x4096xi32>
    %eq3A_844 = arith.cmpi eq, %eq3A_843, %add3A_841 : vector<56x4096xi32>
    %and3A_845 = vector.broadcast %gt3A_14 : vector<56x1xi1> to vector<56x4096xi1>
    %and3A_846 = arith.andi %eq3A_844, %and3A_845 : vector<56x4096xi1>
    %jit3A_847 = arith.constant -1 : i32
    %broadcast_in_dim3A_848 = vector.broadcast %jit3A_847 : i32 to vector<56x4096xi32>
    %select_n3A_849 = arith.select %and3A_846, %iota3A_842, %broadcast_in_dim3A_848 : vector<56x4096xi1>, vector<56x4096xi32>
    %reduce_max3A_850 = arith.constant dense<-2147483648> : vector<4096xi32>
    %reduce_max3A_851 = vector.multi_reduction <maxsi>, %select_n3A_849, %reduce_max3A_850 [0] : vector<56x4096xi32> to vector<4096xi32>
    %broadcast_in_dim3A_852 = vector.shape_cast %reduce_max3A_851 : vector<4096xi32> to vector<1x4096xi32>
    %ge3A_853 = arith.constant 0 : i32
    %ge3A_854 = vector.broadcast %ge3A_853 : i32 to vector<1x4096xi32>
    %ge3A_855 = arith.cmpi sge, %broadcast_in_dim3A_852, %ge3A_854 : vector<1x4096xi32>
    %jit3A_856 = arith.constant 2.000000e+00 : f32
    %broadcast_in_dim3A_857 = vector.broadcast %jit3A_856 : f32 to vector<1x4096xf32>
    %select_n3A_858 = arith.select %ge3A_855, %broadcast_in_dim3A_857, %broadcast_in_dim3A_217 : vector<1x4096xi1>, vector<1x4096xf32>
    %select_n3A_859 = arith.select %ge3A_855, %broadcast_in_dim3A_852, %broadcast_in_dim3A_219 : vector<1x4096xi1>, vector<1x4096xi32>
    %eq3A_860 = vector.broadcast %select_n3A_859 : vector<1x4096xi32> to vector<56x4096xi32>
    %eq3A_861 = arith.cmpi eq, %iota3A_842, %eq3A_860 : vector<56x4096xi32>
    %convert_element_type3A_862 = arith.extui %eq3A_861 : vector<56x4096xi1> to vector<56x4096xi32>
    %convert_element_type3A_863 = arith.sitofp %convert_element_type3A_862 : vector<56x4096xi32> to vector<56x4096xf32>
    %dot_general3A_864 = arith.constant dense<0.000000e+00> : vector<8x4096xf32>
    %dot_general3A_865 = tpu.matmul %get3A_3, %convert_element_type3A_863, %dot_general3A_864 {dimension_numbers = #tpu.dot_dimension_numbers<[1], [0], [0], [1], [0, 0, 1, 1], [], []>, transpose_lhs_hint = false} : vector<8x56xf32>, vector<56x4096xf32>, vector<8x4096xf32> -> vector<8x4096xf32>
    %slice3A_866 = vector.extract_strided_slice %dot_general3A_865 {offsets = [0, 0], sizes = [1, 4096], strides = [1, 1]} : vector<8x4096xf32> to vector<1x4096xf32>
    %slice3A_867 = vector.extract_strided_slice %dot_general3A_865 {offsets = [1, 0], sizes = [1, 4096], strides = [1, 1]} : vector<8x4096xf32> to vector<1x4096xf32>
    %slice3A_868 = vector.extract_strided_slice %dot_general3A_865 {offsets = [2, 0], sizes = [1, 4096], strides = [1, 1]} : vector<8x4096xf32> to vector<1x4096xf32>
    %slice3A_869 = vector.extract_strided_slice %dot_general3A_865 {offsets = [3, 0], sizes = [1, 4096], strides = [1, 1]} : vector<8x4096xf32> to vector<1x4096xf32>
    %slice3A_870 = vector.extract_strided_slice %dot_general3A_865 {offsets = [4, 0], sizes = [1, 4096], strides = [1, 1]} : vector<8x4096xf32> to vector<1x4096xf32>
    %lt3A_871 = arith.constant 5.000000e-01 : f32
    %lt3A_872 = vector.broadcast %lt3A_871 : f32 to vector<1x4096xf32>
    %lt3A_873 = arith.cmpf olt, %select_n3A_858, %lt3A_872 : vector<1x4096xf32>
    %convert_element_type3A_874 = arith.fptosi %slice3A_870 : vector<1x4096xf32> to vector<1x4096xi32>
    %jit3A_875 = arith.constant 0 : i32
    %broadcast_in_dim3A_876 = vector.broadcast %jit3A_875 : i32 to vector<1x4096xi32>
    %select_n3A_877 = arith.select %lt3A_873, %broadcast_in_dim3A_876, %convert_element_type3A_874 : vector<1x4096xi1>, vector<1x4096xi32>
    %gt3A_878 = arith.constant 0 : i32
    %gt3A_879 = vector.broadcast %gt3A_878 : i32 to vector<1x4096xi32>
    %gt3A_880 = arith.cmpi sgt, %select_n3A_877, %gt3A_879 : vector<1x4096xi32>
    %get3A_881 = arith.constant 0 : index
    %get3A_882 = arith.constant 12288 : index
    %get3A_883 = vector.load %arg4[%get3A_881, %get3A_882] : memref<8x16384xf32, #tpu.memory_space<vmem>>, vector<8x4096xf32>
    %add3A_884 = arith.addf %slice3A_866, %slice3A_868 : vector<1x4096xf32>
    %mul3A_885 = arith.constant 5.000000e-01 : f32
    %mul3A_886 = vector.broadcast %mul3A_885 : f32 to vector<1x4096xf32>
    %mul3A_887 = arith.mulf %add3A_884, %mul3A_886 : vector<1x4096xf32>
    %slice3A_888 = vector.extract_strided_slice %get3A_883 {offsets = [0, 0], sizes = [1, 4096], strides = [1, 1]} : vector<8x4096xf32> to vector<1x4096xf32>
    %sub3A_889 = arith.subf %mul3A_887, %slice3A_888 : vector<1x4096xf32>
    %slice3A_890 = vector.extract_strided_slice %get3A_883 {offsets = [2, 0], sizes = [1, 4096], strides = [1, 1]} : vector<8x4096xf32> to vector<1x4096xf32>
    %mul3A_891 = arith.mulf %sub3A_889, %slice3A_890 : vector<1x4096xf32>
    %add3A_892 = arith.addf %slice3A_867, %slice3A_869 : vector<1x4096xf32>
    %mul3A_893 = arith.constant 5.000000e-01 : f32
    %mul3A_894 = vector.broadcast %mul3A_893 : f32 to vector<1x4096xf32>
    %mul3A_895 = arith.mulf %add3A_892, %mul3A_894 : vector<1x4096xf32>
    %slice3A_896 = vector.extract_strided_slice %get3A_883 {offsets = [1, 0], sizes = [1, 4096], strides = [1, 1]} : vector<8x4096xf32> to vector<1x4096xf32>
    %sub3A_897 = arith.subf %mul3A_895, %slice3A_896 : vector<1x4096xf32>
    %slice3A_898 = vector.extract_strided_slice %get3A_883 {offsets = [3, 0], sizes = [1, 4096], strides = [1, 1]} : vector<8x4096xf32> to vector<1x4096xf32>
    %mul3A_899 = arith.mulf %sub3A_897, %slice3A_898 : vector<1x4096xf32>
    %sub3A_900 = arith.subf %slice3A_868, %slice3A_866 : vector<1x4096xf32>
    %slice3A_901 = vector.extract_strided_slice %get3A_883 {offsets = [4, 0], sizes = [1, 4096], strides = [1, 1]} : vector<8x4096xf32> to vector<1x4096xf32>
    %mul3A_902 = arith.mulf %sub3A_900, %slice3A_901 : vector<1x4096xf32>
    %max3A_903 = arith.constant 1.000000e-30 : f32
    %max3A_904 = vector.broadcast %max3A_903 : f32 to vector<1x4096xf32>
    %max3A_905 = arith.maximumf %mul3A_902, %max3A_904 : vector<1x4096xf32>
    %log3A_906 = math.log %max3A_905 : vector<1x4096xf32>
    %mul3A_907 = arith.constant 5.000000e+00 : f32
    %mul3A_908 = vector.broadcast %mul3A_907 : f32 to vector<1x4096xf32>
    %mul3A_909 = arith.mulf %log3A_906, %mul3A_908 : vector<1x4096xf32>
    %sub3A_910 = arith.subf %slice3A_869, %slice3A_867 : vector<1x4096xf32>
    %slice3A_911 = vector.extract_strided_slice %get3A_883 {offsets = [5, 0], sizes = [1, 4096], strides = [1, 1]} : vector<8x4096xf32> to vector<1x4096xf32>
    %mul3A_912 = arith.mulf %sub3A_910, %slice3A_911 : vector<1x4096xf32>
    %max3A_913 = arith.constant 1.000000e-30 : f32
    %max3A_914 = vector.broadcast %max3A_913 : f32 to vector<1x4096xf32>
    %max3A_915 = arith.maximumf %mul3A_912, %max3A_914 : vector<1x4096xf32>
    %log3A_916 = math.log %max3A_915 : vector<1x4096xf32>
    %mul3A_917 = arith.constant 5.000000e+00 : f32
    %mul3A_918 = vector.broadcast %mul3A_917 : f32 to vector<1x4096xf32>
    %mul3A_919 = arith.mulf %log3A_916, %mul3A_918 : vector<1x4096xf32>
    %get3A_920 = arith.constant 0 : index
    %get3A_921 = arith.constant 0 : index
    %get3A_922 = arith.constant 12288 : index
    %get3A_923 = vector.load %arg5[%get3A_920, %get3A_921, %get3A_922] : memref<1x8x16384xf32, #tpu.memory_space<vmem>>, vector<1x8x4096xf32>
    %get3A_924 = vector.shape_cast %get3A_923 : vector<1x8x4096xf32> to vector<8x4096xf32>
    %slice3A_925 = vector.extract_strided_slice %get3A_924 {offsets = [0, 0], sizes = [1, 4096], strides = [1, 1]} : vector<8x4096xf32> to vector<1x4096xf32>
    %sub3A_926 = arith.subf %slice3A_925, %mul3A_891 : vector<1x4096xf32>
    %abs3A_927 = math.absf %sub3A_926 : vector<1x4096xf32>
    %lt3A_928 = arith.constant 1.000000e+00 : f32
    %lt3A_929 = vector.broadcast %lt3A_928 : f32 to vector<1x4096xf32>
    %lt3A_930 = arith.cmpf olt, %abs3A_927, %lt3A_929 : vector<1x4096xf32>
    %mul3A_931 = arith.constant 5.000000e-01 : f32
    %mul3A_932 = vector.broadcast %mul3A_931 : f32 to vector<1x4096xf32>
    %mul3A_933 = arith.mulf %mul3A_932, %sub3A_926 : vector<1x4096xf32>
    %mul3A_934 = arith.mulf %mul3A_933, %sub3A_926 : vector<1x4096xf32>
    %sub3A_935 = arith.constant 5.000000e-01 : f32
    %sub3A_936 = vector.broadcast %sub3A_935 : f32 to vector<1x4096xf32>
    %sub3A_937 = arith.subf %abs3A_927, %sub3A_936 : vector<1x4096xf32>
    %select_n3A_938 = arith.select %lt3A_930, %mul3A_934, %sub3A_937 : vector<1x4096xi1>, vector<1x4096xf32>
    %slice3A_939 = vector.extract_strided_slice %get3A_924 {offsets = [1, 0], sizes = [1, 4096], strides = [1, 1]} : vector<8x4096xf32> to vector<1x4096xf32>
    %sub3A_940 = arith.subf %slice3A_939, %mul3A_899 : vector<1x4096xf32>
    %abs3A_941 = math.absf %sub3A_940 : vector<1x4096xf32>
    %lt3A_942 = arith.constant 1.000000e+00 : f32
    %lt3A_943 = vector.broadcast %lt3A_942 : f32 to vector<1x4096xf32>
    %lt3A_944 = arith.cmpf olt, %abs3A_941, %lt3A_943 : vector<1x4096xf32>
    %mul3A_945 = arith.constant 5.000000e-01 : f32
    %mul3A_946 = vector.broadcast %mul3A_945 : f32 to vector<1x4096xf32>
    %mul3A_947 = arith.mulf %mul3A_946, %sub3A_940 : vector<1x4096xf32>
    %mul3A_948 = arith.mulf %mul3A_947, %sub3A_940 : vector<1x4096xf32>
    %sub3A_949 = arith.constant 5.000000e-01 : f32
    %sub3A_950 = vector.broadcast %sub3A_949 : f32 to vector<1x4096xf32>
    %sub3A_951 = arith.subf %abs3A_941, %sub3A_950 : vector<1x4096xf32>
    %select_n3A_952 = arith.select %lt3A_944, %mul3A_948, %sub3A_951 : vector<1x4096xi1>, vector<1x4096xf32>
    %add3A_953 = arith.addf %select_n3A_938, %select_n3A_952 : vector<1x4096xf32>
    %slice3A_954 = vector.extract_strided_slice %get3A_924 {offsets = [2, 0], sizes = [1, 4096], strides = [1, 1]} : vector<8x4096xf32> to vector<1x4096xf32>
    %sub3A_955 = arith.subf %slice3A_954, %mul3A_909 : vector<1x4096xf32>
    %abs3A_956 = math.absf %sub3A_955 : vector<1x4096xf32>
    %lt3A_957 = arith.constant 1.000000e+00 : f32
    %lt3A_958 = vector.broadcast %lt3A_957 : f32 to vector<1x4096xf32>
    %lt3A_959 = arith.cmpf olt, %abs3A_956, %lt3A_958 : vector<1x4096xf32>
    %mul3A_960 = arith.constant 5.000000e-01 : f32
    %mul3A_961 = vector.broadcast %mul3A_960 : f32 to vector<1x4096xf32>
    %mul3A_962 = arith.mulf %mul3A_961, %sub3A_955 : vector<1x4096xf32>
    %mul3A_963 = arith.mulf %mul3A_962, %sub3A_955 : vector<1x4096xf32>
    %sub3A_964 = arith.constant 5.000000e-01 : f32
    %sub3A_965 = vector.broadcast %sub3A_964 : f32 to vector<1x4096xf32>
    %sub3A_966 = arith.subf %abs3A_956, %sub3A_965 : vector<1x4096xf32>
    %select_n3A_967 = arith.select %lt3A_959, %mul3A_963, %sub3A_966 : vector<1x4096xi1>, vector<1x4096xf32>
    %add3A_968 = arith.addf %add3A_953, %select_n3A_967 : vector<1x4096xf32>
    %slice3A_969 = vector.extract_strided_slice %get3A_924 {offsets = [3, 0], sizes = [1, 4096], strides = [1, 1]} : vector<8x4096xf32> to vector<1x4096xf32>
    %sub3A_970 = arith.subf %slice3A_969, %mul3A_919 : vector<1x4096xf32>
    %abs3A_971 = math.absf %sub3A_970 : vector<1x4096xf32>
    %lt3A_972 = arith.constant 1.000000e+00 : f32
    %lt3A_973 = vector.broadcast %lt3A_972 : f32 to vector<1x4096xf32>
    %lt3A_974 = arith.cmpf olt, %abs3A_971, %lt3A_973 : vector<1x4096xf32>
    %mul3A_975 = arith.constant 5.000000e-01 : f32
    %mul3A_976 = vector.broadcast %mul3A_975 : f32 to vector<1x4096xf32>
    %mul3A_977 = arith.mulf %mul3A_976, %sub3A_970 : vector<1x4096xf32>
    %mul3A_978 = arith.mulf %mul3A_977, %sub3A_970 : vector<1x4096xf32>
    %sub3A_979 = arith.constant 5.000000e-01 : f32
    %sub3A_980 = vector.broadcast %sub3A_979 : f32 to vector<1x4096xf32>
    %sub3A_981 = arith.subf %abs3A_971, %sub3A_980 : vector<1x4096xf32>
    %select_n3A_982 = arith.select %lt3A_974, %mul3A_978, %sub3A_981 : vector<1x4096xi1>, vector<1x4096xf32>
    %add3A_983 = arith.addf %add3A_968, %select_n3A_982 : vector<1x4096xf32>
    %jit3A_984 = arith.constant 0.000000e+00 : f32
    %broadcast_in_dim3A_985 = vector.broadcast %jit3A_984 : f32 to vector<1x4096xf32>
    %select_n3A_986 = arith.select %gt3A_880, %add3A_983, %broadcast_in_dim3A_985 : vector<1x4096xi1>, vector<1x4096xf32>
    %reduce_sum3A_987 = vector.shape_cast %select_n3A_986 : vector<1x4096xf32> to vector<1x1x4096xf32>
    %reduce_sum3A_988 = arith.constant dense<0.000000e+00> : vector<1xf32>
    %reduce_sum3A_989 = vector.multi_reduction <add>, %reduce_sum3A_987, %reduce_sum3A_988 [1, 2] : vector<1x1x4096xf32> to vector<1xf32>
    %reduce_sum3A_990 = vector.shape_cast %reduce_sum3A_989 : vector<1xf32> to vector<1x1x1xf32>
    %reduce_sum3A_991 = vector.extract %reduce_sum3A_990[0, 0, 0] : f32 from vector<1x1x1xf32>
    %add3A_992 = arith.addf %add3A_786, %reduce_sum3A_991 : f32
    %convert_element_type3A_993 = arith.extui %gt3A_880 : vector<1x4096xi1> to vector<1x4096xi32>
    %convert_element_type3A_994 = arith.sitofp %convert_element_type3A_993 : vector<1x4096xi32> to vector<1x4096xf32>
    %reduce_sum3A_995 = vector.shape_cast %convert_element_type3A_994 : vector<1x4096xf32> to vector<1x1x4096xf32>
    %reduce_sum3A_996 = arith.constant dense<0.000000e+00> : vector<1xf32>
    %reduce_sum3A_997 = vector.multi_reduction <add>, %reduce_sum3A_995, %reduce_sum3A_996 [1, 2] : vector<1x1x4096xf32> to vector<1xf32>
    %reduce_sum3A_998 = vector.shape_cast %reduce_sum3A_997 : vector<1xf32> to vector<1x1x1xf32>
    %reduce_sum3A_999 = vector.extract %reduce_sum3A_998[0, 0, 0] : f32 from vector<1x1x1xf32>
    %add3A_1000 = arith.addf %add3A_794, %reduce_sum3A_999 : f32
    %get3A_1001 = arith.constant 0 : index
    %get3A_1002 = arith.constant 0 : index
    %get3A_1003 = arith.constant 12288 : index
    %get3A_1004 = vector.load %arg6[%get3A_1001, %get3A_1002, %get3A_1003] : memref<1x24x16384xf32, #tpu.memory_space<vmem>>, vector<1x24x4096xf32>
    %get3A_1005 = vector.shape_cast %get3A_1004 : vector<1x24x4096xf32> to vector<24x4096xf32>
    %exp3A_1006 = math.exp %get3A_1005 : vector<24x4096xf32>
    %reduce_sum3A_1007 = arith.constant dense<0.000000e+00> : vector<4096xf32>
    %reduce_sum3A_1008 = vector.multi_reduction <add>, %exp3A_1006, %reduce_sum3A_1007 [0] : vector<24x4096xf32> to vector<4096xf32>
    %broadcast_in_dim3A_1009 = vector.shape_cast %reduce_sum3A_1008 : vector<4096xf32> to vector<1x4096xf32>
    %log3A_1010 = math.log %broadcast_in_dim3A_1009 : vector<1x4096xf32>
    %iota3A_1011 = tpu.iota {dimensions = array<i32: 0>} : vector<24x4096xi32>
    %eq3A_1012 = vector.broadcast %select_n3A_877 : vector<1x4096xi32> to vector<24x4096xi32>
    %eq3A_1013 = arith.cmpi eq, %iota3A_1011, %eq3A_1012 : vector<24x4096xi32>
    %jit3A_1014 = arith.constant 0.000000e+00 : f32
    %broadcast_in_dim3A_1015 = vector.broadcast %jit3A_1014 : f32 to vector<24x4096xf32>
    %select_n3A_1016 = arith.select %eq3A_1013, %get3A_1005, %broadcast_in_dim3A_1015 : vector<24x4096xi1>, vector<24x4096xf32>
    %reduce_sum3A_1017 = arith.constant dense<0.000000e+00> : vector<4096xf32>
    %reduce_sum3A_1018 = vector.multi_reduction <add>, %select_n3A_1016, %reduce_sum3A_1017 [0] : vector<24x4096xf32> to vector<4096xf32>
    %broadcast_in_dim3A_1019 = vector.shape_cast %reduce_sum3A_1018 : vector<4096xf32> to vector<1x4096xf32>
    %sub3A_1020 = arith.subf %log3A_1010, %broadcast_in_dim3A_1019 : vector<1x4096xf32>
    %jit3A_1021 = arith.constant 0.000000e+00 : f32
    %broadcast_in_dim3A_1022 = vector.broadcast %jit3A_1021 : f32 to vector<1x4096xf32>
    %select_n3A_1023 = arith.select %gt3A_880, %sub3A_1020, %broadcast_in_dim3A_1022 : vector<1x4096xi1>, vector<1x4096xf32>
    %reduce_sum3A_1024 = vector.shape_cast %select_n3A_1023 : vector<1x4096xf32> to vector<1x1x4096xf32>
    %reduce_sum3A_1025 = arith.constant dense<0.000000e+00> : vector<1xf32>
    %reduce_sum3A_1026 = vector.multi_reduction <add>, %reduce_sum3A_1024, %reduce_sum3A_1025 [1, 2] : vector<1x1x4096xf32> to vector<1xf32>
    %reduce_sum3A_1027 = vector.shape_cast %reduce_sum3A_1026 : vector<1xf32> to vector<1x1x1xf32>
    %reduce_sum3A_1028 = vector.extract %reduce_sum3A_1027[0, 0, 0] : f32 from vector<1x1x1xf32>
    %add3A_1029 = arith.addf %add3A_823, %reduce_sum3A_1028 : f32
    %slice3A_1030 = vector.extract_strided_slice %add3A_841 {offsets = [0, 0], sizes = [1, 4096], strides = [1, 1]} : vector<56x4096xi32> to vector<1x4096xi32>
    %ge3A_1031 = arith.constant 16320 : i32
    %ge3A_1032 = vector.broadcast %ge3A_1031 : i32 to vector<1x4096xi32>
    %ge3A_1033 = arith.cmpi sge, %slice3A_1030, %ge3A_1032 : vector<1x4096xi32>
    %or3A_1034 = arith.ori %gt3A_880, %ge3A_1033 : vector<1x4096xi1>
    %jit3A_1035 = arith.constant 0.000000e+00 : f32
    %broadcast_in_dim3A_1036 = vector.broadcast %jit3A_1035 : f32 to vector<1x4096xf32>
    %select_n3A_1037 = arith.select %or3A_1034, %broadcast_in_dim3A_1036, %sub3A_1020 : vector<1x4096xi1>, vector<1x4096xf32>
    %swap3A_1038 = arith.constant 0 : index
    %swap3A_1039 = arith.constant 0 : index
    %swap3A_1040 = arith.constant 12288 : index
    %swap3A_1041 = vector.load %arg7[%swap3A_1038, %swap3A_1039, %swap3A_1040] : memref<1x1x16384xf32, #tpu.memory_space<vmem>>, vector<1x1x4096xf32>
    %swap3A_1042 = vector.shape_cast %swap3A_1041 : vector<1x1x4096xf32> to vector<1x4096xf32>
    %swap3A_1043 = vector.shape_cast %select_n3A_1037 : vector<1x4096xf32> to vector<1x1x4096xf32>
    tpu.vector_store %arg7[%swap3A_1038, %swap3A_1039, %swap3A_1040], %swap3A_1043 {strides = array<i32>} : memref<1x1x16384xf32, #tpu.memory_space<vmem>>, vector<1x1x4096xf32>,
    %reshape3A = vector.broadcast %add3A_992 : f32 to vector<1x1xf32>
    %reshape3A_1044 = vector.broadcast %add3A_1029 : f32 to vector<1x1xf32>
    %reshape3A_1045 = vector.broadcast %add3A_1000 : f32 to vector<1x1xf32>
    %broadcast_in_dim3A_1046 = arith.constant 0.000000e+00 : f32
    %broadcast_in_dim3A_1047 = vector.broadcast %broadcast_in_dim3A_1046 : f32 to vector<1x5xf32>
    %concatenate3A = tpu.concatenate %reshape3A, %reshape3A_1044, %reshape3A_1045, %broadcast_in_dim3A_1047 in 1 : vector<1x1xf32>, vector<1x1xf32>, vector<1x1xf32>, vector<1x5xf32> -> vector<1x8xf32>
    %swap3A_1048 = arith.constant 0 : index
    %swap3A_1049 = arith.constant 0 : index
    %swap3A_1050 = arith.constant 0 : index
    %swap3A_1051 = vector.load %arg8[%swap3A_1048, %swap3A_1049, %swap3A_1050] : memref<1x1x8xf32, #tpu.memory_space<vmem>>, vector<1x1x8xf32>
    %swap3A_1052 = vector.shape_cast %swap3A_1051 : vector<1x1x8xf32> to vector<1x8xf32>
    %swap3A_1053 = vector.shape_cast %concatenate3A : vector<1x8xf32> to vector<1x1x8xf32>
    tpu.vector_store %arg8[%swap3A_1048, %swap3A_1049, %swap3A_1050], %swap3A_1053 {strides = array<i32>} : memref<1x1x8xf32, #tpu.memory_space<vmem>>, vector<1x1x8xf32>,
    return
  }
  func.func @transform_0(%arg0: i32) -> (i32, i32, i32) {
    %c0_i32 = arith.constant 0 : i32
    %c0_i32_0 = arith.constant 0 : i32
    %c0_i32_1 = arith.constant 0 : i32
    return %arg0, %c0_i32, %c0_i32_0 : i32, i32, i32
  }
  func.func @transform_1(%arg0: i32) -> (i32, i32, i32) {
    %c0_i32 = arith.constant 0 : i32
    %c0_i32_0 = arith.constant 0 : i32
    %c0_i32_1 = arith.constant 0 : i32
    return %arg0, %c0_i32, %c0_i32_0 : i32, i32, i32
  }
  func.func @transform_2(%arg0: i32) -> (i32, i32) {
    %c0_i32 = arith.constant 0 : i32
    %c0_i32_0 = arith.constant 0 : i32
    %c0_i32_1 = arith.constant 0 : i32
    return %c0_i32, %c0_i32_0 : i32, i32
  }
  func.func @transform_3(%arg0: i32) -> (i32, i32) {
    %c0_i32 = arith.constant 0 : i32
    %c0_i32_0 = arith.constant 0 : i32
    %c0_i32_1 = arith.constant 0 : i32
    return %c0_i32, %c0_i32_0 : i32, i32
  }
  func.func @transform_4(%arg0: i32) -> (i32, i32, i32) {
    %c0_i32 = arith.constant 0 : i32
    %c0_i32_0 = arith.constant 0 : i32
    %c0_i32_1 = arith.constant 0 : i32
    return %arg0, %c0_i32, %c0_i32_0 : i32, i32, i32
  }
  func.func @transform_5(%arg0: i32) -> (i32, i32, i32) {
    %c0_i32 = arith.constant 0 : i32
    %c0_i32_0 = arith.constant 0 : i32
    %c0_i32_1 = arith.constant 0 : i32
    return %arg0, %c0_i32, %c0_i32_0 : i32, i32, i32
  }
  func.func @transform_6(%arg0: i32) -> (i32, i32, i32) {
    %c0_i32 = arith.constant 0 : i32
    %c0_i32_0 = arith.constant 0 : i32
    %c0_i32_1 = arith.constant 0 : i32
    return %arg0, %c0_i32, %c0_i32_0 : i32, i32, i32
  }
  func.func @transform_7(%arg0: i32) -> (i32, i32, i32) {
    %c0_i32 = arith.constant 0 : i32
    %c0_i32_0 = arith.constant 0 : i32
    %c0_i32_1 = arith.constant 0 : i32
    return %arg0, %c0_i32, %c0_i32_0 : i32, i32, i32
  }
}

module attributes {stable_mosaic.version = 14 : i64} {
  func.func @_combine_d(%arg0: memref<32x8xf32, #tpu.memory_space<vmem>>, %arg1: memref<32x48xf32, #tpu.memory_space<vmem>>, %arg2: memref<8xf32, #tpu.memory_space<vmem>>) attributes {dimension_semantics = [], scalar_prefetch = 0 : i64, scratch_operands = 0 : i64, tpu.core_type = #tpu.core_type<tc>} {
    %get3A = arith.constant 0 : index
    %get3A_0 = arith.constant 0 : index
    %get3A_1 = vector.load %arg1[%get3A, %get3A_0] : memref<32x48xf32, #tpu.memory_space<vmem>>, vector<32x48xf32>
    %slice3A = vector.extract_strided_slice %get3A_1 {offsets = [0, 0], sizes = [32, 16], strides = [1, 1]} : vector<32x48xf32> to vector<32x16xf32>
    %reduce_sum3A = arith.constant dense<0.000000e+00> : vector<32xf32>
    %reduce_sum3A_2 = vector.multi_reduction <add>, %slice3A, %reduce_sum3A [1] : vector<32x16xf32> to vector<32xf32>
    %broadcast_in_dim3A = vector.shape_cast %reduce_sum3A_2 : vector<32xf32> to vector<32x1xf32>
    %slice3A_3 = vector.extract_strided_slice %get3A_1 {offsets = [0, 16], sizes = [32, 16], strides = [1, 1]} : vector<32x48xf32> to vector<32x16xf32>
    %reduce_sum3A_4 = arith.constant dense<0.000000e+00> : vector<32xf32>
    %reduce_sum3A_5 = vector.multi_reduction <add>, %slice3A_3, %reduce_sum3A_4 [1] : vector<32x16xf32> to vector<32xf32>
    %broadcast_in_dim3A_6 = vector.shape_cast %reduce_sum3A_5 : vector<32xf32> to vector<32x1xf32>
    %slice3A_7 = vector.extract_strided_slice %get3A_1 {offsets = [0, 32], sizes = [32, 16], strides = [1, 1]} : vector<32x48xf32> to vector<32x16xf32>
    %reduce_max3A = arith.constant dense<0xFF800000> : vector<32xf32>
    %reduce_max3A_8 = vector.multi_reduction <maximumf>, %slice3A_7, %reduce_max3A [1] : vector<32x16xf32> to vector<32xf32>
    %broadcast_in_dim3A_9 = vector.shape_cast %reduce_max3A_8 : vector<32xf32> to vector<32x1xf32>
    %get3A_10 = arith.constant 0 : index
    %get3A_11 = arith.constant 2 : index
    %get3A_12 = vector.load %arg0[%get3A_10, %get3A_11] : memref<32x8xf32, #tpu.memory_space<vmem>>, vector<32x1xf32>
    %mul3A = arith.constant 3.000000e+00 : f32
    %mul3A_13 = vector.broadcast %mul3A : f32 to vector<32x1xf32>
    %mul3A_14 = arith.mulf %mul3A_13, %get3A_12 : vector<32x1xf32>
    %min3A = arith.constant 1.631900e+04 : f32
    %min3A_15 = vector.broadcast %min3A : f32 to vector<32x1xf32>
    %min3A_16 = arith.minimumf %mul3A_14, %min3A_15 : vector<32x1xf32>
    %sub3A = arith.subf %min3A_16, %broadcast_in_dim3A_6 : vector<32x1xf32>
    %mul3A_17 = arith.mulf %sub3A, %broadcast_in_dim3A_9 : vector<32x1xf32>
    %add3A = arith.addf %broadcast_in_dim3A, %mul3A_17 : vector<32x1xf32>
    %reduce_sum3A_18 = vector.shape_cast %get3A_12 : vector<32x1xf32> to vector<1x32x1xf32>
    %reduce_sum3A_19 = arith.constant dense<0.000000e+00> : vector<1xf32>
    %reduce_sum3A_20 = vector.multi_reduction <add>, %reduce_sum3A_18, %reduce_sum3A_19 [1, 2] : vector<1x32x1xf32> to vector<1xf32>
    %reduce_sum3A_21 = vector.shape_cast %reduce_sum3A_20 : vector<1xf32> to vector<1x1x1xf32>
    %reduce_sum3A_22 = vector.extract %reduce_sum3A_21[0, 0, 0] : f32 from vector<1x1x1xf32>
    %get3A_23 = arith.constant 0 : index
    %get3A_24 = arith.constant 0 : index
    %get3A_25 = vector.load %arg0[%get3A_23, %get3A_24] : memref<32x8xf32, #tpu.memory_space<vmem>>, vector<32x1xf32>
    %reduce_sum3A_26 = vector.shape_cast %get3A_25 : vector<32x1xf32> to vector<1x32x1xf32>
    %reduce_sum3A_27 = arith.constant dense<0.000000e+00> : vector<1xf32>
    %reduce_sum3A_28 = vector.multi_reduction <add>, %reduce_sum3A_26, %reduce_sum3A_27 [1, 2] : vector<1x32x1xf32> to vector<1xf32>
    %reduce_sum3A_29 = vector.shape_cast %reduce_sum3A_28 : vector<1xf32> to vector<1x1x1xf32>
    %reduce_sum3A_30 = vector.extract %reduce_sum3A_29[0, 0, 0] : f32 from vector<1x1x1xf32>
    %get3A_31 = arith.constant 0 : index
    %get3A_32 = arith.constant 1 : index
    %get3A_33 = vector.load %arg0[%get3A_31, %get3A_32] : memref<32x8xf32, #tpu.memory_space<vmem>>, vector<32x1xf32>
    %add3A_34 = arith.addf %get3A_33, %add3A : vector<32x1xf32>
    %reduce_sum3A_35 = vector.shape_cast %add3A_34 : vector<32x1xf32> to vector<1x32x1xf32>
    %reduce_sum3A_36 = arith.constant dense<0.000000e+00> : vector<1xf32>
    %reduce_sum3A_37 = vector.multi_reduction <add>, %reduce_sum3A_35, %reduce_sum3A_36 [1, 2] : vector<1x32x1xf32> to vector<1xf32>
    %reduce_sum3A_38 = vector.shape_cast %reduce_sum3A_37 : vector<1xf32> to vector<1x1x1xf32>
    %reduce_sum3A_39 = vector.extract %reduce_sum3A_38[0, 0, 0] : f32 from vector<1x1x1xf32>
    %div3A = arith.divf %reduce_sum3A_30, %reduce_sum3A_22 : f32
    %reshape3A = vector.broadcast %div3A : f32 to vector<1xf32>
    %div3A_40 = arith.divf %reduce_sum3A_39, %reduce_sum3A_22 : f32
    %reshape3A_41 = vector.broadcast %div3A_40 : f32 to vector<1xf32>
    %broadcast_in_dim3A_42 = arith.constant 0.000000e+00 : f32
    %broadcast_in_dim3A_43 = vector.broadcast %broadcast_in_dim3A_42 : f32 to vector<6xf32>
    %concatenate3A = tpu.concatenate %reshape3A, %reshape3A_41, %broadcast_in_dim3A_43 in 0 : vector<1xf32>, vector<1xf32>, vector<6xf32> -> vector<8xf32>
    %swap3A = arith.constant 0 : index
    %swap3A_44 = vector.load %arg2[%swap3A] : memref<8xf32, #tpu.memory_space<vmem>>, vector<8xf32>
    tpu.vector_store %arg2[%swap3A], %concatenate3A {strides = array<i32>} : memref<8xf32, #tpu.memory_space<vmem>>, vector<8xf32>,
    return
  }
}

</mosaic_0001>

<sc_bundles>
// kernel: kernel.5.cloned.1.call-start
scs
__scs_entry_jumppad:
0x0: {  	(pc) =	sbr.rel $0x88, $3  }
0x1: {  	(tag) =	ssettag $0x0;
	lr =	simm.s32 $0x1  }
0x2: {  	[smem:$0x3F9D] =	sst lr;
	_ =	strace $0xD0000000  }
0x3: {  	_ = 	snop  }
0x4: {  	_ = 	snop  }
0x5: {  	_ = 	snop  }
0x6: {  	_ = 	snop  }
0x7: {  	_ = 	snop  }
__scs_overlays_trampoline_lowered:
0x8: {  	[smem:$0x3FAC] =	sst s0  }
0x9: {  	[smem:$0x3FAD] =	sst s1  }
0xa: {  	[smem:$0x3FAE] =	sst s2  }
0xb: {  	[smem:$0x3FAF] =	sst s3  }
0xc: {  	[smem:$0x3FB0] =	sst s4  }
0xd: {  	[smem:$0x3FB1] =	sst s5  }
0xe: {  	[smem:$0x3FB2] =	sst s6  }
0xf: {  	[smem:$0x3FB3] =	sst s7  }
0x10: {  	[smem:$0x3FB4] =	sst s8  }
0x11: {  	[smem:$0x3FB5] =	sst s9;
	s0 =	simm.s32 @!p0 $0x0  }
0x12: {  	s1 =	sld [smem:$0x3F9B];
	s0 =	simm.s32 @p0 $0x1  }
0x13: {  	[smem:$0x3FB6] =	sst s0;
	s0 =	simm.s32 @!p1 $0x0  }
0x14: {  	s2 =	sld [smem:$0x3F9A];
	s0 =	simm.s32 @p1 $0x1  }
0x15: {  	[smem:$0x3FB7] =	sst s0;
	s0 =	simm.s32 @!p2 $0x0  }
0x16: {  	s3 =	sld [smem:$0x3FDB];
	s0 =	simm.s32 @p2 $0x1  }
0x17: {  	s4 =	simm.s32 $0x1BF5;
	[smem:$0x3FB9] =	sst s0  }
0x18: {  	s0 =	sld [smem:$0x3F9C];
	_ =	swait.ge [sflag:s4], $0x0  }
0x19: {  	s7 =	sld [smem:$0x3F9D]  }
0x1a: {  	s8 =	sadd.s32 $0xFFFFE003, lr  }
0x1b: {  	s9 =	sadd.s32 $0xFFFFFEF7, lr;
	s5 =	simm.s32 $0xFFFFFFFF;
	p2 =	slt.u32 s8, $0xFFFFF086  }
0x1c: {  	p1 =	slt.u32 s9, $0xF7A;
	s5 =	simm.s32 @!p2 $0x0  }
0x1d: {  	s5 =	simm.s32 @p1 $0x1;
	p0 =	seq.s32 s7, s2  }
0x1e: {  	s7 =	smul.u32 @!p0 $0xF7A, s2;
	p2 =	seq.s32 @!p0 s5, $0x0  }
0x1f: {  	s9 =	smul.u32 $0xF7A, s1;
	s8 =	simm.s32 @!p0 $0x1BF5;
	p2 =	por !p2, p0  }
0x20: {  	[sflag:s8] =	ssyncset.s32 @!p0 $0xFFFFF086;
	s6 =	sadd.s32 @!p0 s3, s7;
	s7 =	simm.s32 @!p0 $0x108  }
0x21: {  	s3 =	sadd.s32 s3, s9;
	s6 =	sadd.s32 @!p0 $0x88, s6;
	s7 =	simm.s32 @p2 $0x1082  }
0x22: {  	[simem:s7], [sflag:s8] =	dma.local @!p0 [hbm:s6], $0xF7A  }
0x23: {  	s9 =	sor.u32 $0xD0000000, s2;
	s6 =	simm.s32 $0x108;
	_ =	swait.ge @!p0 [sflag:s8], $0x0  }
0x24: {  	s3 =	sadd.s32 $0x88, s3;
	s6 =	simm.s32 @!p1 $0x1082;
	[sflag:s4] =	ssyncset.s32 $0xFFFFF086  }
0x25: {  	[simem:s6], [sflag:s4] =	dma.local [hbm:s3], $0xF7A  }
0x26: {  	[smem:$0x3F9D] =	sst s1;
	(tag) =	ssettag s2;
	_ =	strace s9  }
0x27: {  	s1 =	sld [smem:$0x3FAD]  }
0x28: {  	s2 =	sld [smem:$0x3FAE]  }
0x29: {  	s4 =	sld [smem:$0x3FB0]  }
0x2a: {  	p0 =	seq.s32 s5, $0x0;
	s5 =	sld [smem:$0x3FB1]  }
0x2b: {  	s6 =	sld [smem:$0x3FB2]  }
0x2c: {  	s7 =	sld [smem:$0x3FB3]  }
0x2d: {  	s3 =	simm.s32 $0x108;
	s8 =	sld [smem:$0x3FB4]  }
0x2e: {  	s3 =	simm.s32 @!p0 $0x1082;
	s9 =	sld [smem:$0x3FB5]  }
0x2f: {  	lr =	sadd.s32 s0, s3;
	s0 =	sld [smem:$0x3FAC]  }
0x30: {  	s3 =	sld [smem:$0x3FAF]  }
0x31: {  	[smem:$0x3FB8] =	sst s10  }
0x32: {  	s10 =	sld [smem:$0x3FB6];
	_ =	sdelay $0x3  }
0x33: {  	p0 =	seq.s32 s10, $0x1;
	s10 =	sld [smem:$0x3FB8];
	_ =	sdelay $0x3  }
0x34: {  	[smem:$0x3FB8] =	sst s10  }
0x35: {  	s10 =	sld [smem:$0x3FB7];
	_ =	sdelay $0x3  }
0x36: {  	p1 =	seq.s32 s10, $0x1;
	s10 =	sld [smem:$0x3FB8];
	_ =	sdelay $0x3  }
0x37: {  	[smem:$0x3FB8] =	sst s10  }
0x38: {  	s10 =	sld [smem:$0x3FB9]  }
0x39: {  	_ = 	snop;
	(pc) =	sbr.ind lr, $3  }
0x3a: {  	_ = 	snop  }
0x3b: {  	_ = 	snop  }
0x3c: {  	p2 =	seq.s32 s10, $0x1;
	s10 =	sld [smem:$0x3FB8]  }
0x3d: {  	_ =	shalt  }
0x3e: {  	_ =	shalt  }
0x3f: {  	_ =	shalt  }
0x40: {  	_ =	shalt  }
0x41: {  	_ =	shalt  }
0x42: {  	_ =	shalt  }
0x43: {  	_ =	shalt  }
0x44: {  	_ =	shalt  }
0x45: {  	_ =	shalt  }
0x46: {  	_ =	shalt  }
0x47: {  	_ =	shalt  }
0x48: {  	_ =	shalt  }
0x49: {  	_ =	shalt  }
0x4a: {  	_ =	shalt  }
0x4b: {  	_ =	shalt  }
0x4c: {  	_ =	shalt  }
0x4d: {  	_ =	shalt  }
0x4e: {  	_ =	shalt  }
0x4f: {  	_ =	shalt  }
0x50: {  	_ =	shalt  }
0x51: {  	_ =	shalt  }
0x52: {  	_ =	shalt  }
0x53: {  	_ =	shalt  }
0x54: {  	_ =	shalt  }
0x55: {  	_ =	shalt  }
0x56: {  	_ =	shalt  }
0x57: {  	_ =	shalt  }
0x58: {  	_ =	shalt  }
0x59: {  	_ =	shalt  }
0x5a: {  	_ =	shalt  }
0x5b: {  	_ =	shalt  }
0x5c: {  	_ =	shalt  }
0x5d: {  	_ =	shalt  }
0x5e: {  	_ =	shalt  }
0x5f: {  	_ =	shalt  }
0x60: {  	_ =	shalt  }
0x61: {  	_ =	shalt  }
0x62: {  	_ =	shalt  }
0x63: {  	_ =	shalt  }
0x64: {  	_ =	shalt  }
0x65: {  	_ =	shalt  }
0x66: {  	_ =	shalt  }
0x67: {  	_ =	shalt  }
0x68: {  	_ =	shalt  }
0x69: {  	_ =	shalt  }
0x6a: {  	_ =	shalt  }
0x6b: {  	_ =	shalt  }
0x6c: {  	_ =	shalt  }
0x6d: {  	_ =	shalt  }
0x6e: {  	_ =	shalt  }
0x6f: {  	_ =	shalt  }
0x70: {  	_ =	shalt  }
0x71: {  	_ =	shalt  }
0x72: {  	_ =	shalt  }
0x73: {  	_ =	shalt  }
0x74: {  	_ =	shalt  }
0x75: {  	_ =	shalt  }
0x76: {  	_ =	shalt  }
0x77: {  	_ =	shalt  }
0x78: {  	_ =	shalt  }
0x79: {  	_ =	shalt  }
0x7a: {  	_ =	shalt  }
0x7b: {  	_ =	shalt  }
0x7c: {  	_ =	shalt  }
0x7d: {  	_ =	shalt  }
0x7e: {  	_ =	shalt  }
0x7f: {  	_ =	shalt  }
0x80: {  	_ =	shalt  }
0x81: {  	_ =	shalt  }
0x82: {  	_ =	shalt  }
0x83: {  	_ =	shalt  }
0x84: {  	_ =	shalt  }
0x85: {  	_ =	shalt  }
0x86: {  	_ =	shalt  }
0x87: {  	_ =	shalt  }
.Lfunc_end0:
.L_simem_size_0:
called_computation_lowered:
.L_overlay_start_0:
0x88: {  	s2 =	sld [smem:$0x3FD9]  }
0x89: {  	s3 =	sld [smem:$0x3FFE];
	_ =	sdelay $0x1  }
0x8a: {  	s1 =	srdreg.scid  }
0x8b: {  	s0 =	sand.u32 $0x1, s1  }
0x8c: {  	s16 =	sshll.u32 s0, $0xA;
	s2 =	sadd.s32 s3, s2  }
0x8d: {  	s2 =	sadd.s32 s2, s16  }
0x8e: {  	[smem:$0x3FC4] =	sst s2  }
0x8f: {  	_ = 	snop  }
0x90: {  	(tm) =	ssettm $0x1  }
0x91: {  	s17 =	sld [smem:$0x3FFB];
	_ =	sdelay $0x3  }
0x92: {  	_ =	strace s17  }
0x93: {  	s2 =	sld [smem:$0x3FFC];
	_ =	sdelay $0x3  }
0x94: {  	_ =	strace s2  }
0x95: {  	s2 =	sld [smem:$0x3FFD];
	_ =	sdelay $0x3  }
0x96: {  	_ =	strace s2  }
0x97: {  	_ =	strace $0x8FFFFFFF  }
0x98: {  	s18 =	sld [smem:$0x3FDB];
	_ =	sdelay $0x1  }
0x99: {  	s19 =	simm.s32 $_scs_section_size  }
0x9a: {  	s4 =	simm.s32 $_size__tile_overlayer_lowered;
	s5 =	simm.s32 $_tile_overlayer_lowered  }
0x9b: {  	s22 =	simm.s32 $0x1BFF;
	s21 =	sshll.u32 s5, $0x1;
	s2 =	sadd.s32 s19, s18  }
0x9c: {  	s6 =	simm.s32 $0x0;
	s20 =	sshll.u32 s4, $0x1;
	s4 =	sadd.s32 s21, s2  }
0x9d: {  	[timem:s6], [sflag:s22] =	dma.local [hbm:s4], s20  }
0x9e: {  	_ =	swait.ge [sflag:s22], s20  }
0x9f: {  	s3 =	ssub.s32 $0x0, s20;
	[sflag:s22] =	ssyncset.done $0x0  }
0xa0: {  	[sflag:s22] =	ssyncadd.s32 s3;
	_ =	sdelay $0x1  }
0xa1: {  	s23 =	simm.s32 $0x1B8B  }
0xa2: {  	_ =	swait.ge [sflag:s23], $0x1  }
0xa3: {  	[sflag:s23] =	ssyncset.done $0x0  }
0xa4: {  	s25 =	simm.s32 $0x1B8E;
	s24 =	sld [smem:$0x3FFE];
	[sflag:s23] =	ssyncadd.s32 $0xFFFFFFFF  }
0xa5: {  	s26 =	simm.s32 $execute0_lowered;
	[smem:$0x3FD2] =	sst s25  }
0xa6: {  	s4 =	sshll.u32 s26, $0x1;
	_ =	strace $0x80000046;
	[dreg:$0x1] =	wrdreg $0xFFFFFFFF  }
0xa7: {  	s28 =	simm.s32 $_size_execute0_lowered;
	s2 =	sadd.s32 s2, s4;
	[dreg:$0x0] =	wrdreg $0x0  }
0xa8: {  	s4 =	sshll.u32 s28, $0x1;
	[dreg:$0x2] =	wrdreg s2  }
0xa9: {  	[dreg:$0x3] =	wrdreg s4  }
0xaa: {  	[dreg:$0x4] =	wrdreg $0xC0  }
0xab: {  	_ =	task [dreg:s6], $0x5FFFF  }
0xac: {  	[dreg:$0x1] =	wrdreg $0xFFFFFFFF  }
0xad: {  	[dreg:$0x0] =	wrdreg $0x60  }
0xae: {  	[dreg:$0x2] =	wrdreg s24  }
0xaf: {  	[dreg:$0x3] =	wrdreg $0x9  }
0xb0: {  	_ =	task.clear_ibuf [dreg:s6], $0x4FFFF;
	_ =	strace $0x90000046  }
0xb1: {  	s29 =	simm.s32 $0x9;
	_ =	strace $0x80000048  }
0xb2: {  	_ =	swait.ge [sflag:s29], $0x1  }
0xb3: {  	[sflag:s29] =	ssyncadd.s32 $0xFFFFFFFF  }
0xb4: {  	_ =	strace $0x90000048  }
0xb5: {  	_ =	sfence  }
0xb6: {  	s30 =	sld [smem:$0x0];
	_ =	sdelay $0x2  }
0xb7: {  	s31 =	sshll.u32 s1, $0xD;
	s1 =	sshrl.u32 s1, $0x2  }
0xb8: {  	s3 =	sand.u32 $0x4000, s31;
	s1 =	sadd.s32 s1, s30  }
0xb9: {  	s0 =	sor.u32 s3, s0;
	s1 =	sshll.u32 s1, $0x11  }
0xba: {  	s0 =	sor.u32 s1, s0  }
0xbb: {  	s0 =	sadd.s32 $0x8F2B, s0  }
0xbc: {  	[sflag:s0] =	ssyncadd.remote.s32 $0x1  }
0xbd: {  	_ =	sfence.sel $0xFFFF  }
0xbe: {  	[dreg:$0x0] =	wrdreg $0xFFFFFFFF;
	(pc) =	sbr.abs _section_cstart, $3  }
0xbf: {  	[dreg:$0x1] =	wrdreg $0xFFFFFFFF  }
0xc0: {  	_ =	task.clear_ibuf [dreg:s6], $0x2FFFF;
	_ =	strace $0x9FFFFFFF  }
0xc1: {  	(tm) =	ssettm $0x7FFFFFFF  }
tec
execute0_lowered:
.L_overlay_start_1:
0x0: {  	(tag) =	ssettag $0x1  }
0x1: {  	s3 =	rddreg [dreg:$0x0]  }
0x2: {  	s0 =	rddreg [dreg:$0x1]  }
0x3: {  	s4 =	srdreg.scid;
	s1 =	stileid.u32  }
0x4: {  	s2 =	simm.s32 $0x0;
	s9 =	simm.s32 $0x1;
	s10 =	simm.s32 $0x4000  }
0x5: {  	s11 =	simm.s32 $0x4080;
	s12 =	simm.s32 $0x0;
	s4 =	sand.u32 $0x1, s4  }
0x6: {  	s5 =	sshll.u32 s1, $0x8;
	s6 =	sshrl.u32 s1, $0x2;
	[smem:$0x7FF] =	sst s2  }
0x7: {  	s7 =	sshll.u32 s4, $0x7;
	s5 =	sand.u32 $0x300, s5;
	s8 =	sshll.u32 s6, $0x11  }
0x8: {  	_ =	strace $0x80000047;
	s6 =	sshll.u32 s6, $0xA;
	s5 =	sor.u32 s7, s5  }
0x9: {  	s4 =	ssub.s32 $0x2, s4;
	s7 =	sor.u32 s8, s5;
	s5 =	sor.u32 s6, s5  }
0xa: {  	s31 =	sshrl.u32 s4, $0x1;
	s7 =	sshrl.u32 s7, $0x3;
	s5 =	sshrl.u32 s5, $0x3  }
0xb: {  	s8 =	simm.s32 $0x400;
	s30 =	sadd.s32 s7, s3;
	s5 =	sadd.s32 s5, s3  }
0xc: {  	s7 =	ssub.s32 s4, s31;
	s3 =	sadd.s32 $0xC00, s30;
	s4 =	sadd.s32 $0x10C00, s5  }
0xd: {  	v0 =	vimm.s32 $0x0;
	s5 =	sadd.s32 $0x10E00, s5;
	s6 =	smax.u32 s7, $0x1;
	s7 =	simm.s32 $0x80  }
.LBB2_1:
0xe: {  	[tilespmem:s2], [sflag:$0x1] =	stream.strided.gather [hbm4b:s3+s7], $0x4000, s8, s7, $0x38;
	[tilespmem:$0x4100] =	vst v63  }
0xf: {  	_ =	swait.ge [sflag:s9], $0x4000  }
0x10: {  	[sflag:s9] =	ssyncset.done $0x0  }
0x11: {  	[sflag:s9] =	ssyncadd.s32 $0xFFFFC000  }
0x12: {  	[tilespmem:s10], [sflag:$0x1] =	stream.linear.gather [hbm4b:s4+s2], $0x80, $0x38;
	[tilespmem:$0x4100] =	vst v63  }
0x13: {  	_ =	swait.ge [sflag:s9], $0x80  }
0x14: {  	[sflag:s9] =	ssyncset.done $0x0  }
0x15: {  	[sflag:s9] =	ssyncadd.s32 $0xFFFFFF80  }
0x16: {  	v2 =	vimm.s32 $0x7F800000;
	v1 =	vimm.s32 $0x0;
	s13 =	simm.s32 $0x0;
	v3 =	vld [tilespmem:$0x4000]  }
.LBB2_2:
0x17: {  	s15 =	simm.s32 $0x80  }
0x18: {  	v5 =	vld [tilespmem:s15+$0xFFFFFF80]  }
0x19: {  	v6 =	vld [tilespmem:s15+$0xFFFFFF90]  }
0x1a: {  	v4 =	vsub.s32 v2, v1;
	v7 =	vld [tilespmem:s15+$0xFFFFFFA0]  }
0x1b: {  	v4 =	vshra.s32 v4, $0x1;
	v8 =	vld [tilespmem:s15+$0xFFFFFFB0]  }
0x1c: {  	v9 =	vld [tilespmem:s15+$0xFFFFFFC0];
	v4 =	vadd.s32 v1, v4  }
0x1d: {  	vm0 =	vgt.f32 v5, v4;
	v5 =	vld [tilespmem:s15+$0xFFFFFFD0]  }
0x1e: {  	v10 =	vmpcnt.ones.xlane vm0;
	vm0 =	vgt.f32 v6, v4;
	v6 =	vld [tilespmem:s15+$0xFFFFFFE0]  }
0x1f: {  	v11 =	vimm.s32 $0x0;
	v12 =	vmpcnt.ones.xlane vm0;
	vm0 =	vgt.f32 v7, v4;
	v7 =	vld [tilespmem:s15+$0xFFFFFFF0]  }
0x20: {  	v10 =	vadd.s32 v11, v10;
	v11 =	vmpcnt.ones.xlane vm0;
	vm0 =	vgt.f32 v8, v4;
	v8 =	vld [tilespmem:s15+$0x0]  }
0x21: {  	v10 =	vadd.s32 v12, v10;
	v12 =	vmpcnt.ones.xlane vm0;
	vm0 =	vgt.f32 v9, v4;
	v9 =	vld [tilespmem:s15+$0x10]  }
0x22: {  	v13 =	vld [tilespmem:s15+$0x20];
	v10 =	vadd.s32 v11, v10;
	v11 =	vmpcnt.ones.xlane vm0;
	vm0 =	vgt.f32 v5, v4  }
0x23: {  	v5 =	vld [tilespmem:s15+$0x30];
	v10 =	vadd.s32 v12, v10;
	v12 =	vmpcnt.ones.xlane vm0;
	vm0 =	vgt.f32 v6, v4  }
0x24: {  	v6 =	vld [tilespmem:s15+$0x40];
	v10 =	vadd.s32 v11, v10;
	v11 =	vmpcnt.ones.xlane vm0;
	vm0 =	vgt.f32 v7, v4  }
0x25: {  	v7 =	vld [tilespmem:s15+$0x50];
	v10 =	vadd.s32 v12, v10;
	v12 =	vmpcnt.ones.xlane vm0;
	vm0 =	vgt.f32 v8, v4  }
0x26: {  	v8 =	vld [tilespmem:s15+$0x60];
	v11 =	vadd.s32 v11, v10;
	v10 =	vmpcnt.ones.xlane vm0;
	vm0 =	vgt.f32 v9, v4  }
0x27: {  	s14 =	simm.s32 $0x0;
	v9 =	vld [tilespmem:s15+$0x70];
	s15 =	simm.s32 $0x180;
	v12 =	vadd.s32 v12, v11;
	v11 =	vmpcnt.ones.xlane vm0;
	vm0 =	vgt.f32 v13, v4  }
.LBB2_3:
0x28: {  	v13 =	vld [tilespmem:s15+$0xFFFFFF80];
	s14 =	sadd.s32 $0x100, s14;
	v10 =	vadd.s32 v10, v12;
	v12 =	vmpcnt.ones.xlane vm0;
	vm0 =	vgt.f32 v5, v4  }
0x29: {  	v5 =	vld [tilespmem:s15+$0xFFFFFF90];
	p0 =	slt.u32 s14, $0x3F00;
	v10 =	vadd.s32 v11, v10;
	v11 =	vmpcnt.ones.xlane vm0;
	vm0 =	vgt.f32 v6, v4  }
0x2a: {  	v6 =	vld [tilespmem:s15+$0xFFFFFFA0];
	v10 =	vadd.s32 v12, v10;
	v12 =	vmpcnt.ones.xlane vm0;
	vm0 =	vgt.f32 v7, v4  }
0x2b: {  	v7 =	vld [tilespmem:s15+$0xFFFFFFB0];
	v10 =	vadd.s32 v11, v10;
	v11 =	vmpcnt.ones.xlane vm0;
	vm0 =	vgt.f32 v8, v4  }
0x2c: {  	v8 =	vld [tilespmem:s15+$0xFFFFFFC0];
	v10 =	vadd.s32 v12, v10;
	v12 =	vmpcnt.ones.xlane vm0;
	vm0 =	vgt.f32 v9, v4  }
0x2d: {  	vm1 =	vgt.f32 v13, v4;
	v9 =	vld [tilespmem:s15+$0xFFFFFFD0];
	v10 =	vadd.s32 v11, v10;
	v11 =	vmpcnt.ones.xlane vm0  }
0x2e: {  	v13 =	vmpcnt.ones.xlane vm1;
	vm0 =	vgt.f32 v5, v4;
	v5 =	vld [tilespmem:s15+$0xFFFFFFE0];
	v10 =	vadd.s32 v12, v10  }
0x2f: {  	v12 =	vmpcnt.ones.xlane vm0;
	vm0 =	vgt.f32 v6, v4;
	v6 =	vld [tilespmem:s15+$0xFFFFFFF0];
	v10 =	vadd.s32 v11, v10  }
0x30: {  	v10 =	vadd.s32 v10, v13;
	v11 =	vmpcnt.ones.xlane vm0;
	vm0 =	vgt.f32 v7, v4;
	v7 =	vld [tilespmem:s15+$0x0]  }
0x31: {  	v10 =	vadd.s32 v12, v10;
	v12 =	vmpcnt.ones.xlane vm0;
	vm0 =	vgt.f32 v8, v4;
	v8 =	vld [tilespmem:s15+$0x10]  }
0x32: {  	v10 =	vadd.s32 v11, v10;
	v11 =	vmpcnt.ones.xlane vm0;
	vm0 =	vgt.f32 v9, v4;
	v9 =	vld [tilespmem:s15+$0x20]  }
.Ltmp0:
0x33: {  	v10 =	vadd.s32 v12, v10;
	v12 =	vmpcnt.ones.xlane vm0;
	vm0 =	vgt.f32 v5, v4;
	v5 =	vld [tilespmem:s15+$0x30];
	(pc) =	sbr.rel @p0 .LBB2_3-.Ltmp0, $4  }
0x34: {  	v10 =	vadd.s32 v11, v10;
	v11 =	vmpcnt.ones.xlane vm0;
	vm0 =	vgt.f32 v6, v4;
	v6 =	vld [tilespmem:s15+$0x40]  }
0x35: {  	v10 =	vadd.s32 v12, v10;
	v12 =	vmpcnt.ones.xlane vm0;
	vm0 =	vgt.f32 v7, v4;
	v7 =	vld [tilespmem:s15+$0x50]  }
0x36: {  	v11 =	vadd.s32 v11, v10;
	v10 =	vmpcnt.ones.xlane vm0;
	vm0 =	vgt.f32 v8, v4;
	v8 =	vld [tilespmem:s15+$0x60]  }
0x37: {  	v12 =	vadd.s32 v12, v11;
	v11 =	vmpcnt.ones.xlane vm0;
	vm0 =	vgt.f32 v9, v4;
	v9 =	vld [tilespmem:s15+$0x70];
	s15 =	sadd.s32 $0x100, s15  }
0x38: {  	v10 =	vadd.s32 v10, v12;
	v60 =	vmpcnt.ones.xlane vm0;
	vm10 =	vgt.f32 v5, v4  }
0x39: {  	v5 =	vadd.s32 v11, v10;
	v61 =	vmpcnt.ones.xlane vm10;
	vm11 =	vgt.f32 v6, v4  }
0x3a: {  	v5 =	vadd.s32 v60, v5;
	v6 =	vmpcnt.ones.xlane vm11;
	vm12 =	vgt.f32 v7, v4  }
0x3b: {  	s13 =	sadd.s32 $0x1, s13;
	v5 =	vadd.s32 v61, v5;
	v7 =	vmpcnt.ones.xlane vm12;
	vm13 =	vgt.f32 v8, v4  }
0x3c: {  	p0 =	sne.s32 s13, $0x1F;
	v5 =	vadd.s32 v6, v5;
	v62 =	vmpcnt.ones.xlane vm13;
	vm14 =	vgt.f32 v9, v4  }
.Ltmp1:
0x3d: {  	v5 =	vadd.s32 v7, v5;
	v63 =	vmpcnt.ones.xlane vm14;
	(pc) =	sbr.rel @p0 .LBB2_2-.Ltmp1, $4  }
0x3e: {  	v5 =	vadd.s32 v62, v5  }
0x3f: {  	v5 =	vadd.s32 v63, v5  }
0x40: {  	vm15 =	vlt.s32 v5, v3;
	v5 =	vadd.s32 $0x1, v4  }
0x41: {  	v1 =	vsel vm15, v1, v5;
	v2 =	vsel vm15, v4, v2  }
0x42: {  	s13 =	simm.s32 $0x40  }
0x43: {  	v2 =	vld [tilespmem:s13+$0x30]  }
0x44: {  	v4 =	vld [tilespmem:s13+$0x20]  }
0x45: {  	v3 =	vld [tilespmem:s13+$0x10]  }
0x46: {  	v5 =	vld [tilespmem:s13+$0x0]  }
0x47: {  	v14 =	vld [tilespmem:s13+$0xFFFFFFF0]  }
0x48: {  	v12 =	vld [tilespmem:s13+$0xFFFFFFE0]  }
0x49: {  	v13 =	vld [tilespmem:s13+$0xFFFFFFD0]  }
0x4a: {  	v15 =	vld [tilespmem:s13+$0xFFFFFFC0]  }
0x4b: {  	v7 =	vimm.f32 $0.0e+00;
	vm0 =	vgt.f32 v2, v1  }
0x4c: {  	vm5 =	veq.f32 v3, v1;
	vm6 =	veq.f32 v4, v1;
	vm1 =	veq.f32 v2, v1  }
0x4d: {  	vm7 =	veq.f32 v14, v1;
	vm8 =	veq.f32 v5, v1;
	vm2 =	vgt.f32 v4, v1  }
0x4e: {  	vm9 =	veq.f32 v13, v1;
	vm10 =	veq.f32 v12, v1;
	vm3 =	vgt.f32 v3, v1  }
0x4f: {  	vm11 =	veq.f32 v15, v1;
	vm12 =	vgt.f32 v14, v1;
	vm4 =	vgt.f32 v5, v1  }
0x50: {  	vm13 =	vgt.f32 v15, v1;
	vm14 =	vgt.f32 v13, v1;
	vm15 =	vgt.f32 v12, v1  }
0x51: {  	v8 =	vnsel vm13, $0x0, v15;
	v9 =	vsel vm13, $0x3F800000, v0;
	v6 =	vnsel vm0, $0x0, v2  }
0x52: {  	v16 =	vnsel vm14, $0x0, v13;
	v10 =	vadd.f32 v8, v7;
	v11 =	vadd.f32 v9, v7  }
0x53: {  	v17 =	vsel vm14, $0x3F800000, v0;
	v18 =	vnsel vm15, $0x0, v12;
	v19 =	vsel vm15, $0x3F800000, v0  }
0x54: {  	v12 =	vnsel vm10, $0x0, v12;
	v16 =	vadd.f32 v16, v10;
	v17 =	vadd.f32 v17, v11  }
0x55: {  	v13 =	vnsel vm9, $0x0, v13;
	v15 =	vnsel vm11, $0x0, v15;
	v8 =	vnsel vm6, $0x0, v4  }
0x56: {  	v9 =	vnsel vm5, $0x0, v3;
	v16 =	vadd.f32 v18, v16;
	v17 =	vadd.f32 v19, v17  }
0x57: {  	v11 =	vnsel vm7, $0x0, v14;
	v14 =	vnsel vm12, $0x0, v14;
	v18 =	vsel vm12, $0x3F800000, v0  }
0x58: {  	s14 =	simm.s32 $0xC0;
	s13 =	simm.s32 $0x0;
	v10 =	vnsel vm8, $0x0, v5;
	v16 =	vadd.f32 v14, v16;
	v14 =	vadd.f32 v18, v17  }
.LBB2_6:
0x59: {  	v17 =	vld [tilespmem:s14+$0x30];
	v7 =	vmax.f32 v7, v15;
	v5 =	vnsel vm4, $0x0, v5;
	v15 =	vsel vm4, $0x3F800000, v0  }
0x5a: {  	v18 =	vld [tilespmem:s14+$0x20];
	v7 =	vmax.f32 v7, v13;
	v13 =	vadd.f32 v5, v16;
	v14 =	vadd.f32 v15, v14  }
0x5b: {  	v15 =	vsel vm3, $0x3F800000, v0;
	v7 =	vmax.f32 v7, v12;
	v12 =	vnsel vm3, $0x0, v3;
	v3 =	vld [tilespmem:s14+$0x10]  }
0x5c: {  	v5 =	vld [tilespmem:s14+$0x0];
	v7 =	vmax.f32 v7, v11;
	v11 =	vadd.f32 v12, v13;
	v12 =	vadd.f32 v15, v14  }
0x5d: {  	v16 =	vnsel vm2, $0x0, v4;
	v14 =	vld [tilespmem:s14+$0xFFFFFFF0];
	v7 =	vmax.f32 v7, v10;
	v10 =	vsel vm2, $0x3F800000, v0  }
0x5e: {  	v13 =	vld [tilespmem:s14+$0xFFFFFFE0];
	v7 =	vmax.f32 v7, v9;
	v9 =	vadd.f32 v16, v11;
	v10 =	vadd.f32 v10, v12  }
0x5f: {  	v11 =	vnsel vm1, $0x0, v2;
	v2 =	vmovc v17;
	v15 =	vld [tilespmem:s14+$0xFFFFFFD0];
	v7 =	vmax.f32 v7, v8;
	v8 =	vsel vm0, $0x3F800000, v0;
	v4 =	vmovc v18  }
0x60: {  	v16 =	vld [tilespmem:s14+$0xFFFFFFC0];
	v9 =	vadd.f32 v6, v9;
	v8 =	vadd.f32 v8, v10;
	v7 =	vmax.f32 v7, v11  }
0x61: {  	s13 =	sadd.s32 $0x80, s13;
	vm0 =	vgt.f32 v2, v1  }
0x62: {  	p0 =	slt.u32 s13, $0x3F80;
	vm1 =	veq.f32 v2, v1;
	vm10 =	veq.f32 v3, v1;
	vm11 =	veq.f32 v4, v1  }
0x63: {  	vm2 =	vgt.f32 v4, v1;
	vm12 =	veq.f32 v5, v1;
	vm7 =	veq.f32 v14, v1  }
0x64: {  	vm3 =	vgt.f32 v3, v1;
	vm8 =	veq.f32 v13, v1;
	vm6 =	veq.f32 v15, v1  }
0x65: {  	vm4 =	vgt.f32 v5, v1;
	vm9 =	vgt.f32 v14, v1;
	vm5 =	veq.f32 v16, v1  }
0x66: {  	vm15 =	vgt.f32 v13, v1;
	vm14 =	vgt.f32 v15, v1;
	vm13 =	vgt.f32 v16, v1  }
0x67: {  	v6 =	vnsel vm0, $0x0, v2;
	v10 =	vnsel vm13, $0x0, v16;
	v11 =	vsel vm13, $0x3F800000, v0  }
0x68: {  	v10 =	vadd.f32 v10, v9;
	v11 =	vadd.f32 v11, v8;
	v8 =	vnsel vm11, $0x0, v4  }
0x69: {  	v12 =	vnsel vm14, $0x0, v15;
	v17 =	vsel vm14, $0x3F800000, v0;
	v9 =	vnsel vm10, $0x0, v3  }
.Ltmp2:
0x6a: {  	v12 =	vadd.f32 v12, v10;
	v17 =	vadd.f32 v17, v11;
	v10 =	vnsel vm12, $0x0, v5;
	(pc) =	sbr.rel @p0 .LBB2_6-.Ltmp2, $4  }
0x6b: {  	v18 =	vnsel vm15, $0x0, v13;
	v19 =	vsel vm15, $0x3F800000, v0;
	v11 =	vnsel vm7, $0x0, v14  }
0x6c: {  	v18 =	vadd.f32 v18, v12;
	v17 =	vadd.f32 v19, v17;
	v12 =	vnsel vm8, $0x0, v13  }
0x6d: {  	v14 =	vnsel vm9, $0x0, v14;
	v13 =	vnsel vm6, $0x0, v15;
	v19 =	vsel vm9, $0x3F800000, v0  }
0x6e: {  	s14 =	sadd.s32 $0x80, s14;
	v15 =	vnsel vm5, $0x0, v16;
	v16 =	vadd.f32 v14, v18;
	v14 =	vadd.f32 v19, v17  }
0x6f: {  	v1 =	vnsel vm4, $0x0, v5  }
0x70: {  	v59 =	vsel vm4, $0x3F800000, v0;
	v1 =	vadd.f32 v1, v16  }
0x71: {  	v3 =	vnsel vm3, $0x0, v3;
	v5 =	vadd.f32 v59, v14  }
0x72: {  	v7 =	vmax.f32 v7, v15;
	v60 =	vsel vm3, $0x3F800000, v0;
	v1 =	vadd.f32 v3, v1  }
0x73: {  	v4 =	vnsel vm2, $0x0, v4;
	v3 =	vmax.f32 v7, v13;
	v5 =	vadd.f32 v60, v5  }
0x74: {  	v61 =	vsel vm2, $0x3F800000, v0;
	v3 =	vmax.f32 v3, v12;
	v1 =	vadd.f32 v4, v1  }
0x75: {  	v3 =	vmax.f32 v3, v11;
	v62 =	vadd.f32 v61, v5  }
0x76: {  	v63 =	vsel vm0, $0x3F800000, v0;
	v3 =	vmax.f32 v3, v10;
	v1 =	vadd.f32 v6, v1  }
0x77: {  	v3 =	vmax.f32 v3, v9;
	v4 =	vadd.f32 v63, v62  }
0x78: {  	v2 =	vnsel vm1, $0x0, v2;
	s12 =	sadd.s32 $0x1, s12;
	v3 =	vmax.f32 v3, v8;
	[tilespmem:$0x4080] =	vst v1  }
0x79: {  	p0 =	sne.s32 s12, s6;
	v1 =	vmax.f32 v3, v2;
	[tilespmem:$0x4090] =	vst v4  }
.Ltmp3:
0x7a: {  	[tilespmem:$0x40A0] =	vst v1;
	(pc) =	sbr.rel @p0 .LBB2_1-.Ltmp3, $4  }
0x7b: {  	[hbm4b:s5+s2] =	stream.linear.scatter [tilespmem:s11], [sflag:$0x1], $0x80, $0x38;
	[tilespmem:$0x4100] =	vst v63  }
0x7c: {  	_ =	swait.ge [sflag:s9], $0x80  }
0x7d: {  	[sflag:s9] =	ssyncset.done $0x0  }
0x7e: {  	[sflag:s9] =	ssyncadd.s32 $0xFFFFFF80  }
0x7f: {  	_ =	sfence.sel $0x180000  }
0x80: {  	[bflag:$0x0] =	sbarrier.arrive $0xFFFF  }
0x81: {  	p0 =	sne.s32 s1, $0x0;
	_ =	strace $0x90000047  }
0x82: {  	s0 =	sadd.s32 @!p0 $0x100000, s0;
	[bflag:$0x2] =	sbarrier.arrive $0xFFFF  }
0x83: {  	[sflag:s0] =	ssyncadd.tile.s32 @!p0 $0x1;
	_ =	shalt  }
.Lfunc_end2:
_tile_overlayer_lowered:
.L_overlay_start_2:
0x84: {  	(tag) =	ssettag $0x2  }
0x85: {  	s0 =	rddreg [dreg:$0x0];
	s2 =	stileid.u32  }
0x86: {  	s1 =	rddreg [dreg:$0x1];
	p0 =	sne.s32 s2, $0x0  }
0x87: {  	s3 =	rddreg [dreg:$0x2];
	[bflag:$0x3] =	sbarrier.arrive $0xFFFF;
	s2 =	simm.s32 @!p0 $0x1C01  }
0x88: {  	[timem:s3], [sflag:s2] =	dma.local @!p0 [hbm:s0], s1  }
0x89: {  	s0 =	simm.s32 @!p0 $0x1  }
0x8a: {  	_ =	swait.ge @!p0 [sflag:s0], s1  }
0x8b: {  	s1 =	ssub.s32 @!p0 $0x0, s1;
	[sflag:s0] =	ssyncset.done @!p0 $0x0  }
0x8c: {  	[sflag:s0] =	ssyncadd.s32 @!p0 s1  }
0x8d: {  	[bflag:$0x3] =	sbarrier.arrive $0xFFFF  }
0x8e: {  	_ =	shalt  }

</sc_bundles>
